<compile_context>
chip_gen: v7x
topology: tpu7x:2x2x1
jax: 0.10.2.dev20260603
libtpu: 0.0.44.dev20260713+nightly
codegen_flags: <defaults>
</compile_context>

<pallas_src>
import functools

import jax
import jax.numpy as jnp
from jax import lax
from jax.experimental import pallas as pl
from jax.experimental.pallas import tpu as pltpu
from jax.experimental.pallas import tpu_sc as plsc

N = 10000
NPAD = 10240
E = 320000
D = 128

ROWS_BLK = 1000
EB = 128
NBLK = E // EB
WR = 640
WC = 128


def _pre_body(x_ref, wl_ref, wh_ref, wi_ref, a_ref, hl_ref, hh_ref, hi_ref, sd_ref):
    xb = x_ref[...]
    hl = jnp.dot(xb, wl_ref[...], preferred_element_type=jnp.float32)
    hh = jnp.dot(xb, wh_ref[...], preferred_element_type=jnp.float32)
    hi = jnp.dot(xb, wi_ref[...], preferred_element_type=jnp.float32)
    hl_ref[...] = hl
    hh_ref[...] = hh
    hi_ref[...] = hi
    a = a_ref[...]
    sl = jnp.dot(hl, a[:, 0:2], preferred_element_type=jnp.float32)
    sh = jnp.dot(hh, a[:, 2:4], preferred_element_type=jnp.float32)
    z = jnp.zeros_like(sl)
    sd_ref[...] = jnp.concatenate([sl, sh, z, z], axis=1)


def _pre(x, wl, wh, wi, a8):
    grid = (N // ROWS_BLK,)
    out = [
        jax.ShapeDtypeStruct((N, D), jnp.float32),
        jax.ShapeDtypeStruct((N, D), jnp.float32),
        jax.ShapeDtypeStruct((N, D), jnp.float32),
        jax.ShapeDtypeStruct((N, 8), jnp.float32),
    ]
    blk = pl.BlockSpec((ROWS_BLK, D), lambda i: (i, 0))
    wspec = pl.BlockSpec((D, D), lambda i: (0, 0))
    return pl.pallas_call(
        _pre_body,
        grid=grid,
        in_specs=[blk, wspec, wspec, wspec, pl.BlockSpec((D, 8), lambda i: (0, 0))],
        out_specs=[blk, blk, blk, pl.BlockSpec((ROWS_BLK, 8), lambda i: (i, 0))],
        out_shape=out,
    )(x, wl, wh, wi, a8)


def _sc_body(h2_hbm, src_hbm, dst_hbm, sd4_hbm, z2d_hbm, z1d_hbm,
             agg_hbm,
             num_sp, den_sp,
             rows_v, sl_v, dl_v, denc_v, sidx_v, didx_v, p_v):
    cid = lax.axis_index("c")
    sid = lax.axis_index("s")

    pltpu.sync_copy(z2d_hbm, rows_v)
    for k in range(5):
        row0 = sid * WR + k * WC
        pltpu.sync_copy(rows_v, num_sp.at[pl.ds(row0, WC)])
    pltpu.sync_copy(z1d_hbm, denc_v)
    pltpu.sync_copy(denc_v, den_sp.at[pl.ds(sid * WR, WR)])

    pltpu.sync_copy(sd4_hbm.at[pl.ds(2 * cid * N, N)], sl_v)
    pltpu.sync_copy(sd4_hbm.at[pl.ds((2 * cid + 1) * N, N)], dl_v)

    plsc.subcore_barrier()

    lo = sid * 156 + jnp.minimum(sid, 4)
    nb = 156 + jnp.where(sid < 4, 1, 0)
    hoff = cid * N

    def edge_block(i, carry):
        off = i * EB
        pltpu.sync_copy(src_hbm.at[pl.ds(off, EB)], sidx_v)
        pltpu.sync_copy(dst_hbm.at[pl.ds(off, EB)], didx_v)

        def pgroup(g, c):
            base = g * 16
            si = sidx_v[pl.ds(base, 16)]
            di = didx_v[pl.ds(base, 16)]
            t = plsc.load_gather(sl_v, [si]) + plsc.load_gather(dl_v, [di])
            e = jnp.maximum(t, 0.2 * t)
            p_v[pl.ds(base, 16)] = jnp.exp(e)
            sidx_v[pl.ds(base, 16)] = si + hoff
            return c

        lax.fori_loop(0, EB // 16, pgroup, 0)

        pltpu.sync_copy(h2_hbm.at[sidx_v], rows_v)

        def scale_row(r, c):
            pb = plsc.load_gather(p_v, [jnp.full((16,), r, jnp.int32)])
            for j in range(8):
                rows_v[r, pl.ds(j * 16, 16)] = rows_v[r, pl.ds(j * 16, 16)] * pb
            return c

        lax.fori_loop(0, EB, scale_row, 0)

        pltpu.sync_copy(rows_v, num_sp.at[didx_v], add=True)
        pltpu.sync_copy(p_v, den_sp.at[didx_v], add=True)
        return carry

    lax.fori_loop(lo, lo + nb, edge_block, 0)

    plsc.subcore_barrier()

    pltpu.sync_copy(den_sp.at[pl.ds(sid * WR, WR)], denc_v)
    for k in range(5):
        row0 = sid * WR + k * WC
        pltpu.sync_copy(num_sp.at[pl.ds(row0, WC)], rows_v)

        def div_row(r, c):
            dv = plsc.load_gather(denc_v, [jnp.full((16,), k * WC + r, jnp.int32)])
            rec = 1.0 / (dv + 1e-16)
            for j in range(8):
                rows_v[r, pl.ds(j * 16, 16)] = rows_v[r, pl.ds(j * 16, 16)] * rec
            return c

        lax.fori_loop(0, WC, div_row, 0)

        pltpu.sync_copy(rows_v, agg_hbm.at[cid, pl.ds(row0, WC)])


def _sc_agg(h2, src, dst, sd4, z2d, z1d):
    mesh = plsc.VectorSubcoreMesh(core_axis_name="c", subcore_axis_name="s")
    f = pl.kernel(
        _sc_body,
        compiler_params=pltpu.CompilerParams(
            use_tc_tiling_on_sc=False, needs_layout_passes=False),
        out_type=jax.ShapeDtypeStruct((2, NPAD, D), jnp.float32),
        mesh=mesh,
        scratch_types=[
            pltpu.VMEM_SHARED((NPAD, D), jnp.float32),
            pltpu.VMEM_SHARED((NPAD,), jnp.float32),
            pltpu.VMEM((EB, D), jnp.float32),
            pltpu.VMEM((N,), jnp.float32),
            pltpu.VMEM((N,), jnp.float32),
            pltpu.VMEM((WR,), jnp.float32),
            pltpu.VMEM((EB,), jnp.int32),
            pltpu.VMEM((EB,), jnp.int32),
            pltpu.VMEM((EB,), jnp.float32),
        ],
    )
    return f(h2, src, dst, sd4, z2d, z1d)


def _post_body(aggl_ref, aggh_ref, hh_ref, hi_ref, w3_ref, out_ref):
    HL = jnp.maximum(aggl_ref[0], 0.0)
    HH = jnp.maximum(hh_ref[...] - aggh_ref[0], 0.0)
    HI = jnp.maximum(hi_ref[...], 0.0)
    w3 = w3_ref[...]
    l0 = jnp.dot(HL, w3[:, 0:1], preferred_element_type=jnp.float32)
    l1 = jnp.dot(HH, w3[:, 1:2], preferred_element_type=jnp.float32)
    l2 = jnp.dot(HI, w3[:, 2:3], preferred_element_type=jnp.float32)
    logits = jnp.concatenate([l0, l1, l2], axis=1)
    sg = 1.0 / (1.0 + jnp.exp(-logits))
    sm = sg - jnp.max(sg, axis=1, keepdims=True)
    ex = jnp.exp(sm)
    mix = ex / jnp.sum(ex, axis=1, keepdims=True)
    out = mix[:, 0:1] * HL + mix[:, 1:2] * HH + mix[:, 2:3] * HI
    m = jnp.max(out, axis=1, keepdims=True)
    s = out - m
    out_ref[...] = s - jnp.log(jnp.sum(jnp.exp(s), axis=1, keepdims=True))


def _post(agg, hh, hi, w3):
    blk = pl.BlockSpec((ROWS_BLK, D), lambda i: (i, 0))
    albk = pl.BlockSpec((1, ROWS_BLK, D), lambda i: (0, i, 0))
    ahbk = pl.BlockSpec((1, ROWS_BLK, D), lambda i: (1, i, 0))
    return pl.pallas_call(
        _post_body,
        grid=(N // ROWS_BLK,),
        in_specs=[albk, ahbk, blk, blk, pl.BlockSpec((D, 8), lambda i: (0, 0))],
        out_specs=blk,
        out_shape=jax.ShapeDtypeStruct((N, D), jnp.float32),
    )(agg, agg, hh, hi, w3)


def kernel(x, edge_index, W_L, a_l_src, a_l_dst, W_H, a_h_src, a_h_dst, W_I,
           w_mix_l, w_mix_h, w_mix_i):
    z = jnp.zeros((D,), jnp.float32)
    a8 = jnp.stack([a_l_src, a_l_dst, a_h_src, a_h_dst, z, z, z, z], axis=1)
    hl, hh, hi, sd = _pre(x, W_L, W_H, W_I, a8)
    h2 = jnp.concatenate([hl, hh], axis=0)
    sd4 = sd.T[:4].reshape(4 * N)
    z2d = jnp.zeros((WC, D), jnp.float32)
    z1d = jnp.zeros((WR,), jnp.float32)
    ei = edge_index.astype(jnp.int32)
    src, dst = ei[0], ei[1]
    agg = _sc_agg(h2, src, dst, sd4, z2d, z1d)
    w3 = jnp.stack([w_mix_l, w_mix_h, w_mix_i, z, z, z, z, z], axis=1)
    return _post(agg, hh, hi, w3)

# --- scband reference (transcript-rebuilt; emitter-appended) ---
"""Pipeline reference for scband-acm-gat-32272384262630 (READ-ONLY COPY).

The authoritative reference and input builder live on the scoring server;
editing this copy changes nothing except your own understanding.
"""

import jax, jax.numpy as jnp
import numpy as np

N_NODES = 10000
N_EDGES = 320000
D_IN = 128
D_OUT = 128


def _gat_aggregate(h, src, dst, a_src_vec, a_dst_vec, n_nodes):
    # GAT-style attention aggregation: softmax over incoming edges per dst node
    e = jax.nn.leaky_relu(h[src] @ a_src_vec + h[dst] @ a_dst_vec, negative_slope=0.2)  # [E]
    e_max = jax.ops.segment_max(e, dst, num_segments=n_nodes)
    e_max = jnp.where(jnp.isfinite(e_max), e_max, 0.0)
    ex = jnp.exp(e - e_max[dst])
    denom = jax.ops.segment_sum(ex, dst, num_segments=n_nodes)
    alpha = ex / (denom[dst] + 1e-16)
    msg = h[src] * alpha[:, None]
    return jax.ops.segment_sum(msg, dst, num_segments=n_nodes)


def setup_inputs(seed: int = 0) -> dict:
    key = jax.random.key(seed)
    ks = jax.random.split(key, 12)
    s = 1.0 / np.sqrt(D_IN)
    inp = {
        "x": jax.random.normal(ks[0], (N_NODES, D_IN), dtype=jnp.float32),
        "edge_index": jax.random.randint(ks[1], (2, N_EDGES), 0, N_NODES),
        # low-pass (GAT) channel
        "W_L": jax.random.normal(ks[2], (D_IN, D_OUT), dtype=jnp.float32) * s,
        "a_l_src": jax.random.normal(ks[3], (D_OUT,), dtype=jnp.float32) * s,
        "a_l_dst": jax.random.normal(ks[4], (D_OUT,), dtype=jnp.float32) * s,
        # high-pass channel
        "W_H": jax.random.normal(ks[5], (D_IN, D_OUT), dtype=jnp.float32) * s,
        "a_h_src": jax.random.normal(ks[6], (D_OUT,), dtype=jnp.float32) * s,
        "a_h_dst": jax.random.normal(ks[7], (D_OUT,), dtype=jnp.float32) * s,
        # identity channel
        "W_I": jax.random.normal(ks[8], (D_IN, D_OUT), dtype=jnp.float32) * s,
        # adaptive channel-mixing vectors
        "w_mix_l": jax.random.normal(ks[9], (D_OUT,), dtype=jnp.float32) * s,
        "w_mix_h": jax.random.normal(ks[10], (D_OUT,), dtype=jnp.float32) * s,
        "w_mix_i": jax.random.normal(ks[11], (D_OUT,), dtype=jnp.float32) * s,
    }
    return inp


def reference(x, edge_index, W_L, a_l_src, a_l_dst, W_H, a_h_src, a_h_dst, W_I, w_mix_l, w_mix_h, w_mix_i):
    # eval mode: dropout is identity
    n = x.shape[0]
    src = edge_index[0]
    dst = edge_index[1]
    # channel feature transforms
    hl = x @ W_L
    hh = x @ W_H
    hi = x @ W_I
    # low-pass: GAT attention aggregation
    HL = jax.nn.relu(_gat_aggregate(hl, src, dst, a_l_src, a_l_dst, n))
    # high-pass: (I - A_hat) X W_H  with GAT attention as A_hat
    HH = jax.nn.relu(hh - _gat_aggregate(hh, src, dst, a_h_src, a_h_dst, n))
    # identity channel
    HI = jax.nn.relu(hi)
    # adaptive channel mixing (ACM): per-node softmax over the 3 channels
    logits = jnp.stack([HL @ w_mix_l, HH @ w_mix_h, HI @ w_mix_i], axis=1)  # [N, 3]
    mix = jax.nn.softmax(jax.nn.sigmoid(logits), axis=1)
    out = mix[:, 0:1] * HL + mix[:, 1:2] * HH + mix[:, 2:3] * HI
    return jax.nn.log_softmax(out, axis=1)

if __name__ == "__main__":
    import jax
    _d = setup_inputs()
    print(jax.jit(kernel)(*tuple(_d.values())))

</pallas_src>

<mosaic_0001>
#map = affine_map<(d0, d1) -> (0, 0)>
#map1 = affine_map<(d0, d1) -> (0)>
#map2 = affine_map<(d0, d1) -> (0, 0, 0)>
module attributes {stable_mosaic.version = 14 : i64} {
  func.func @_sc_body(%arg0: i32, %arg1: i32, %arg2: memref<20000x128xf32, #tpu.memory_space<hbm>>, %arg3: memref<320000xi32, #tpu.memory_space<hbm>>, %arg4: memref<320000xi32, #tpu.memory_space<hbm>>, %arg5: memref<40000xf32, #tpu.memory_space<hbm>>, %arg6: memref<128x128xf32, #tpu.memory_space<hbm>>, %arg7: memref<640xf32, #tpu.memory_space<hbm>>, %arg8: memref<2x10240x128xf32, #tpu.memory_space<hbm>>, %arg9: memref<10240x128xf32, #tpu.memory_space<vmem_shared>>, %arg10: memref<10240xf32, #tpu.memory_space<vmem_shared>>, %arg11: memref<128x128xf32, #tpu.memory_space<vmem>>, %arg12: memref<10000xf32, #tpu.memory_space<vmem>>, %arg13: memref<10000xf32, #tpu.memory_space<vmem>>, %arg14: memref<640xf32, #tpu.memory_space<vmem>>, %arg15: memref<128xi32, #tpu.memory_space<vmem>>, %arg16: memref<128xi32, #tpu.memory_space<vmem>>, %arg17: memref<128xf32, #tpu.memory_space<vmem>>) attributes {dimension_semantics = [#tpu.dimension_semantics<core_parallel>, #tpu.dimension_semantics<subcore_parallel>], iteration_bounds = array<i64: 2, 16>, scalar_prefetch = 0 : i64, scratch_operands = 9 : i64, tpu.core_type = #tpu.core_type<sc_vector_subcore>, window_params = [{transform_indices = #map}, {transform_indices = #map1}, {transform_indices = #map1}, {transform_indices = #map1}, {transform_indices = #map}, {transform_indices = #map1}, {transform_indices = #map2}]} {
    "tpu.region"() ({
      %run_scoped3A = tpu.sem_alloc : memref<!tpu.dma_semaphore, #tpu.memory_space<semaphore_mem>>
      tpu.enqueue_dma source(%arg6 : memref<128x128xf32, #tpu.memory_space<hbm>>) target(%arg11 : memref<128x128xf32, #tpu.memory_space<vmem>>) target_semaphore(%run_scoped3A : memref<!tpu.dma_semaphore, #tpu.memory_space<semaphore_mem>>)
      tpu.wait_dma2 semaphore(%run_scoped3A : memref<!tpu.dma_semaphore, #tpu.memory_space<semaphore_mem>>) src(%arg6 : memref<128x128xf32, #tpu.memory_space<hbm>>) dst(%arg11 : memref<128x128xf32, #tpu.memory_space<vmem>>)
      tpu.yield
    }) : () -> ()
    %mul3A = arith.constant 640 : i32
    %mul3A_0 = arith.muli %arg1, %mul3A : i32
    %add3A = arith.constant 0 : i32
    %add3A_1 = arith.addi %mul3A_0, %add3A : i32
    "tpu.region"() ({
      %run_scoped3A = tpu.sem_alloc : memref<!tpu.dma_semaphore, #tpu.memory_space<semaphore_mem>>
      %dma_start3A = arith.constant 0 : i32
      %dma_start3A_101 = tpu.memref_slice %arg9[%add3A_1, %dma_start3A] : memref<10240x128xf32, #tpu.memory_space<vmem_shared>> -> memref<128x128xf32, #tpu.memory_space<vmem_shared>>
      %dma_start3A_102 = arith.constant 0 : i32
      %dma_start3A_103 = tpu.memref_slice %arg9[%add3A_1, %dma_start3A_102] : memref<10240x128xf32, #tpu.memory_space<vmem_shared>> -> memref<128x128xf32, #tpu.memory_space<vmem_shared>>
      tpu.enqueue_dma source(%arg11 : memref<128x128xf32, #tpu.memory_space<vmem>>) target(%dma_start3A_103 : memref<128x128xf32, #tpu.memory_space<vmem_shared>>) target_semaphore(%run_scoped3A : memref<!tpu.dma_semaphore, #tpu.memory_space<semaphore_mem>>)
      %dma_wait3A = arith.constant 0 : i32
      %dma_wait3A_104 = tpu.memref_slice %arg9[%add3A_1, %dma_wait3A] : memref<10240x128xf32, #tpu.memory_space<vmem_shared>> -> memref<128x128xf32, #tpu.memory_space<vmem_shared>>
      %dma_wait3A_105 = arith.constant 0 : i32
      %dma_wait3A_106 = tpu.memref_slice %arg9[%add3A_1, %dma_wait3A_105] : memref<10240x128xf32, #tpu.memory_space<vmem_shared>> -> memref<128x128xf32, #tpu.memory_space<vmem_shared>>
      tpu.wait_dma2 semaphore(%run_scoped3A : memref<!tpu.dma_semaphore, #tpu.memory_space<semaphore_mem>>) src(%arg11 : memref<128x128xf32, #tpu.memory_space<vmem>>) dst(%dma_wait3A_106 : memref<128x128xf32, #tpu.memory_space<vmem_shared>>)
      tpu.yield
    }) : () -> ()
    %mul3A_2 = arith.constant 640 : i32
    %mul3A_3 = arith.muli %arg1, %mul3A_2 : i32
    %add3A_4 = arith.constant 128 : i32
    %add3A_5 = arith.addi %mul3A_3, %add3A_4 : i32
    "tpu.region"() ({
      %run_scoped3A = tpu.sem_alloc : memref<!tpu.dma_semaphore, #tpu.memory_space<semaphore_mem>>
      %dma_start3A = arith.constant 0 : i32
      %dma_start3A_101 = tpu.memref_slice %arg9[%add3A_5, %dma_start3A] : memref<10240x128xf32, #tpu.memory_space<vmem_shared>> -> memref<128x128xf32, #tpu.memory_space<vmem_shared>>
      %dma_start3A_102 = arith.constant 0 : i32
      %dma_start3A_103 = tpu.memref_slice %arg9[%add3A_5, %dma_start3A_102] : memref<10240x128xf32, #tpu.memory_space<vmem_shared>> -> memref<128x128xf32, #tpu.memory_space<vmem_shared>>
      tpu.enqueue_dma source(%arg11 : memref<128x128xf32, #tpu.memory_space<vmem>>) target(%dma_start3A_103 : memref<128x128xf32, #tpu.memory_space<vmem_shared>>) target_semaphore(%run_scoped3A : memref<!tpu.dma_semaphore, #tpu.memory_space<semaphore_mem>>)
      %dma_wait3A = arith.constant 0 : i32
      %dma_wait3A_104 = tpu.memref_slice %arg9[%add3A_5, %dma_wait3A] : memref<10240x128xf32, #tpu.memory_space<vmem_shared>> -> memref<128x128xf32, #tpu.memory_space<vmem_shared>>
      %dma_wait3A_105 = arith.constant 0 : i32
      %dma_wait3A_106 = tpu.memref_slice %arg9[%add3A_5, %dma_wait3A_105] : memref<10240x128xf32, #tpu.memory_space<vmem_shared>> -> memref<128x128xf32, #tpu.memory_space<vmem_shared>>
      tpu.wait_dma2 semaphore(%run_scoped3A : memref<!tpu.dma_semaphore, #tpu.memory_space<semaphore_mem>>) src(%arg11 : memref<128x128xf32, #tpu.memory_space<vmem>>) dst(%dma_wait3A_106 : memref<128x128xf32, #tpu.memory_space<vmem_shared>>)
      tpu.yield
    }) : () -> ()
    %mul3A_6 = arith.constant 640 : i32
    %mul3A_7 = arith.muli %arg1, %mul3A_6 : i32
    %add3A_8 = arith.constant 256 : i32
    %add3A_9 = arith.addi %mul3A_7, %add3A_8 : i32
    "tpu.region"() ({
      %run_scoped3A = tpu.sem_alloc : memref<!tpu.dma_semaphore, #tpu.memory_space<semaphore_mem>>
      %dma_start3A = arith.constant 0 : i32
      %dma_start3A_101 = tpu.memref_slice %arg9[%add3A_9, %dma_start3A] : memref<10240x128xf32, #tpu.memory_space<vmem_shared>> -> memref<128x128xf32, #tpu.memory_space<vmem_shared>>
      %dma_start3A_102 = arith.constant 0 : i32
      %dma_start3A_103 = tpu.memref_slice %arg9[%add3A_9, %dma_start3A_102] : memref<10240x128xf32, #tpu.memory_space<vmem_shared>> -> memref<128x128xf32, #tpu.memory_space<vmem_shared>>
      tpu.enqueue_dma source(%arg11 : memref<128x128xf32, #tpu.memory_space<vmem>>) target(%dma_start3A_103 : memref<128x128xf32, #tpu.memory_space<vmem_shared>>) target_semaphore(%run_scoped3A : memref<!tpu.dma_semaphore, #tpu.memory_space<semaphore_mem>>)
      %dma_wait3A = arith.constant 0 : i32
      %dma_wait3A_104 = tpu.memref_slice %arg9[%add3A_9, %dma_wait3A] : memref<10240x128xf32, #tpu.memory_space<vmem_shared>> -> memref<128x128xf32, #tpu.memory_space<vmem_shared>>
      %dma_wait3A_105 = arith.constant 0 : i32
      %dma_wait3A_106 = tpu.memref_slice %arg9[%add3A_9, %dma_wait3A_105] : memref<10240x128xf32, #tpu.memory_space<vmem_shared>> -> memref<128x128xf32, #tpu.memory_space<vmem_shared>>
      tpu.wait_dma2 semaphore(%run_scoped3A : memref<!tpu.dma_semaphore, #tpu.memory_space<semaphore_mem>>) src(%arg11 : memref<128x128xf32, #tpu.memory_space<vmem>>) dst(%dma_wait3A_106 : memref<128x128xf32, #tpu.memory_space<vmem_shared>>)
      tpu.yield
    }) : () -> ()
    %mul3A_10 = arith.constant 640 : i32
    %mul3A_11 = arith.muli %arg1, %mul3A_10 : i32
    %add3A_12 = arith.constant 384 : i32
    %add3A_13 = arith.addi %mul3A_11, %add3A_12 : i32
    "tpu.region"() ({
      %run_scoped3A = tpu.sem_alloc : memref<!tpu.dma_semaphore, #tpu.memory_space<semaphore_mem>>
      %dma_start3A = arith.constant 0 : i32
      %dma_start3A_101 = tpu.memref_slice %arg9[%add3A_13, %dma_start3A] : memref<10240x128xf32, #tpu.memory_space<vmem_shared>> -> memref<128x128xf32, #tpu.memory_space<vmem_shared>>
      %dma_start3A_102 = arith.constant 0 : i32
      %dma_start3A_103 = tpu.memref_slice %arg9[%add3A_13, %dma_start3A_102] : memref<10240x128xf32, #tpu.memory_space<vmem_shared>> -> memref<128x128xf32, #tpu.memory_space<vmem_shared>>
      tpu.enqueue_dma source(%arg11 : memref<128x128xf32, #tpu.memory_space<vmem>>) target(%dma_start3A_103 : memref<128x128xf32, #tpu.memory_space<vmem_shared>>) target_semaphore(%run_scoped3A : memref<!tpu.dma_semaphore, #tpu.memory_space<semaphore_mem>>)
      %dma_wait3A = arith.constant 0 : i32
      %dma_wait3A_104 = tpu.memref_slice %arg9[%add3A_13, %dma_wait3A] : memref<10240x128xf32, #tpu.memory_space<vmem_shared>> -> memref<128x128xf32, #tpu.memory_space<vmem_shared>>
      %dma_wait3A_105 = arith.constant 0 : i32
      %dma_wait3A_106 = tpu.memref_slice %arg9[%add3A_13, %dma_wait3A_105] : memref<10240x128xf32, #tpu.memory_space<vmem_shared>> -> memref<128x128xf32, #tpu.memory_space<vmem_shared>>
      tpu.wait_dma2 semaphore(%run_scoped3A : memref<!tpu.dma_semaphore, #tpu.memory_space<semaphore_mem>>) src(%arg11 : memref<128x128xf32, #tpu.memory_space<vmem>>) dst(%dma_wait3A_106 : memref<128x128xf32, #tpu.memory_space<vmem_shared>>)
      tpu.yield
    }) : () -> ()
    %mul3A_14 = arith.constant 640 : i32
    %mul3A_15 = arith.muli %arg1, %mul3A_14 : i32
    %add3A_16 = arith.constant 512 : i32
    %add3A_17 = arith.addi %mul3A_15, %add3A_16 : i32
    "tpu.region"() ({
      %run_scoped3A = tpu.sem_alloc : memref<!tpu.dma_semaphore, #tpu.memory_space<semaphore_mem>>
      %dma_start3A = arith.constant 0 : i32
      %dma_start3A_101 = tpu.memref_slice %arg9[%add3A_17, %dma_start3A] : memref<10240x128xf32, #tpu.memory_space<vmem_shared>> -> memref<128x128xf32, #tpu.memory_space<vmem_shared>>
      %dma_start3A_102 = arith.constant 0 : i32
      %dma_start3A_103 = tpu.memref_slice %arg9[%add3A_17, %dma_start3A_102] : memref<10240x128xf32, #tpu.memory_space<vmem_shared>> -> memref<128x128xf32, #tpu.memory_space<vmem_shared>>
      tpu.enqueue_dma source(%arg11 : memref<128x128xf32, #tpu.memory_space<vmem>>) target(%dma_start3A_103 : memref<128x128xf32, #tpu.memory_space<vmem_shared>>) target_semaphore(%run_scoped3A : memref<!tpu.dma_semaphore, #tpu.memory_space<semaphore_mem>>)
      %dma_wait3A = arith.constant 0 : i32
      %dma_wait3A_104 = tpu.memref_slice %arg9[%add3A_17, %dma_wait3A] : memref<10240x128xf32, #tpu.memory_space<vmem_shared>> -> memref<128x128xf32, #tpu.memory_space<vmem_shared>>
      %dma_wait3A_105 = arith.constant 0 : i32
      %dma_wait3A_106 = tpu.memref_slice %arg9[%add3A_17, %dma_wait3A_105] : memref<10240x128xf32, #tpu.memory_space<vmem_shared>> -> memref<128x128xf32, #tpu.memory_space<vmem_shared>>
      tpu.wait_dma2 semaphore(%run_scoped3A : memref<!tpu.dma_semaphore, #tpu.memory_space<semaphore_mem>>) src(%arg11 : memref<128x128xf32, #tpu.memory_space<vmem>>) dst(%dma_wait3A_106 : memref<128x128xf32, #tpu.memory_space<vmem_shared>>)
      tpu.yield
    }) : () -> ()
    "tpu.region"() ({
      %run_scoped3A = tpu.sem_alloc : memref<!tpu.dma_semaphore, #tpu.memory_space<semaphore_mem>>
      tpu.enqueue_dma source(%arg7 : memref<640xf32, #tpu.memory_space<hbm>>) target(%arg14 : memref<640xf32, #tpu.memory_space<vmem>>) target_semaphore(%run_scoped3A : memref<!tpu.dma_semaphore, #tpu.memory_space<semaphore_mem>>)
      tpu.wait_dma2 semaphore(%run_scoped3A : memref<!tpu.dma_semaphore, #tpu.memory_space<semaphore_mem>>) src(%arg7 : memref<640xf32, #tpu.memory_space<hbm>>) dst(%arg14 : memref<640xf32, #tpu.memory_space<vmem>>)
      tpu.yield
    }) : () -> ()
    %mul3A_18 = arith.constant 640 : i32
    %mul3A_19 = arith.muli %arg1, %mul3A_18 : i32
    "tpu.region"() ({
      %run_scoped3A = tpu.sem_alloc : memref<!tpu.dma_semaphore, #tpu.memory_space<semaphore_mem>>
      %dma_start3A = tpu.memref_slice %arg10[%mul3A_19] : memref<10240xf32, #tpu.memory_space<vmem_shared>> -> memref<640xf32, #tpu.memory_space<vmem_shared>>
      %dma_start3A_101 = tpu.memref_slice %arg10[%mul3A_19] : memref<10240xf32, #tpu.memory_space<vmem_shared>> -> memref<640xf32, #tpu.memory_space<vmem_shared>>
      tpu.enqueue_dma source(%arg14 : memref<640xf32, #tpu.memory_space<vmem>>) target(%dma_start3A_101 : memref<640xf32, #tpu.memory_space<vmem_shared>>) target_semaphore(%run_scoped3A : memref<!tpu.dma_semaphore, #tpu.memory_space<semaphore_mem>>)
      %dma_wait3A = tpu.memref_slice %arg10[%mul3A_19] : memref<10240xf32, #tpu.memory_space<vmem_shared>> -> memref<640xf32, #tpu.memory_space<vmem_shared>>
      %dma_wait3A_102 = tpu.memref_slice %arg10[%mul3A_19] : memref<10240xf32, #tpu.memory_space<vmem_shared>> -> memref<640xf32, #tpu.memory_space<vmem_shared>>
      tpu.wait_dma2 semaphore(%run_scoped3A : memref<!tpu.dma_semaphore, #tpu.memory_space<semaphore_mem>>) src(%arg14 : memref<640xf32, #tpu.memory_space<vmem>>) dst(%dma_wait3A_102 : memref<640xf32, #tpu.memory_space<vmem_shared>>)
      tpu.yield
    }) : () -> ()
    %mul3A_20 = arith.constant 2 : i32
    %mul3A_21 = arith.muli %mul3A_20, %arg0 : i32
    %mul3A_22 = arith.constant 10000 : i32
    %mul3A_23 = arith.muli %mul3A_21, %mul3A_22 : i32
    "tpu.region"() ({
      %run_scoped3A = tpu.sem_alloc : memref<!tpu.dma_semaphore, #tpu.memory_space<semaphore_mem>>
      %dma_start3A = tpu.memref_slice %arg5[%mul3A_23] : memref<40000xf32, #tpu.memory_space<hbm>> -> memref<10000xf32, #tpu.memory_space<hbm>>
      %dma_start3A_101 = tpu.memref_slice %arg5[%mul3A_23] : memref<40000xf32, #tpu.memory_space<hbm>> -> memref<10000xf32, #tpu.memory_space<hbm>>
      tpu.enqueue_dma source(%dma_start3A_101 : memref<10000xf32, #tpu.memory_space<hbm>>) target(%arg12 : memref<10000xf32, #tpu.memory_space<vmem>>) target_semaphore(%run_scoped3A : memref<!tpu.dma_semaphore, #tpu.memory_space<semaphore_mem>>)
      %dma_wait3A = tpu.memref_slice %arg5[%mul3A_23] : memref<40000xf32, #tpu.memory_space<hbm>> -> memref<10000xf32, #tpu.memory_space<hbm>>
      %dma_wait3A_102 = tpu.memref_slice %arg5[%mul3A_23] : memref<40000xf32, #tpu.memory_space<hbm>> -> memref<10000xf32, #tpu.memory_space<hbm>>
      tpu.wait_dma2 semaphore(%run_scoped3A : memref<!tpu.dma_semaphore, #tpu.memory_space<semaphore_mem>>) src(%dma_wait3A_102 : memref<10000xf32, #tpu.memory_space<hbm>>) dst(%arg12 : memref<10000xf32, #tpu.memory_space<vmem>>)
      tpu.yield
    }) : () -> ()
    %mul3A_24 = arith.constant 2 : i32
    %mul3A_25 = arith.muli %mul3A_24, %arg0 : i32
    %add3A_26 = arith.constant 1 : i32
    %add3A_27 = arith.addi %mul3A_25, %add3A_26 : i32
    %mul3A_28 = arith.constant 10000 : i32
    %mul3A_29 = arith.muli %add3A_27, %mul3A_28 : i32
    "tpu.region"() ({
      %run_scoped3A = tpu.sem_alloc : memref<!tpu.dma_semaphore, #tpu.memory_space<semaphore_mem>>
      %dma_start3A = tpu.memref_slice %arg5[%mul3A_29] : memref<40000xf32, #tpu.memory_space<hbm>> -> memref<10000xf32, #tpu.memory_space<hbm>>
      %dma_start3A_101 = tpu.memref_slice %arg5[%mul3A_29] : memref<40000xf32, #tpu.memory_space<hbm>> -> memref<10000xf32, #tpu.memory_space<hbm>>
      tpu.enqueue_dma source(%dma_start3A_101 : memref<10000xf32, #tpu.memory_space<hbm>>) target(%arg13 : memref<10000xf32, #tpu.memory_space<vmem>>) target_semaphore(%run_scoped3A : memref<!tpu.dma_semaphore, #tpu.memory_space<semaphore_mem>>)
      %dma_wait3A = tpu.memref_slice %arg5[%mul3A_29] : memref<40000xf32, #tpu.memory_space<hbm>> -> memref<10000xf32, #tpu.memory_space<hbm>>
      %dma_wait3A_102 = tpu.memref_slice %arg5[%mul3A_29] : memref<40000xf32, #tpu.memory_space<hbm>> -> memref<10000xf32, #tpu.memory_space<hbm>>
      tpu.wait_dma2 semaphore(%run_scoped3A : memref<!tpu.dma_semaphore, #tpu.memory_space<semaphore_mem>>) src(%dma_wait3A_102 : memref<10000xf32, #tpu.memory_space<hbm>>) dst(%arg13 : memref<10000xf32, #tpu.memory_space<vmem>>)
      tpu.yield
    }) : () -> ()
    %barrier3A = arith.constant 0 : index
    tpu.barrier barrier_id(%barrier3A)
    %mul3A_30 = arith.constant 156 : i32
    %mul3A_31 = arith.muli %arg1, %mul3A_30 : i32
    %min3A = arith.constant 4 : i32
    %min3A_32 = arith.minsi %arg1, %min3A : i32
    %add3A_33 = arith.addi %mul3A_31, %min3A_32 : i32
    %lt3A = arith.constant 4 : i32
    %lt3A_34 = arith.cmpi slt, %arg1, %lt3A : i32
    %jit3A = arith.constant 1 : i32
    %jit3A_35 = arith.constant 0 : i32
    %select_n3A = arith.select %lt3A_34, %jit3A, %jit3A_35 : i32
    %add3A_36 = arith.constant 156 : i32
    %add3A_37 = arith.addi %add3A_36, %select_n3A : i32
    %mul3A_38 = arith.constant 10000 : i32
    %mul3A_39 = arith.muli %arg0, %mul3A_38 : i32
    %add3A_40 = arith.addi %add3A_33, %add3A_37 : i32
    %while3A = arith.constant 0 : i32
    %while3A_41 = arith.subi %add3A_40, %add3A_33 : i32
    %while3A_42 = arith.addi %add3A_33, %while3A_41 : i32
    %while3A_43 = arith.constant 1 : i32
    %while3A_44 = arith.divsi %while3A_41, %while3A_43 : i32
    %while3A_45 = arith.muli %while3A_44, %while3A_43 : i32
    %while3A_46 = arith.addi %add3A_33, %while3A_45 : i32
    %while3A_47 = arith.constant 1 : i32
    scf.for %while3A_101 = %add3A_33 to %while3A_46 step %while3A_47  : i32 {
      %mul3A_102 = arith.constant 128 : i32
      %mul3A_103 = arith.muli %while3A_101, %mul3A_102 : i32
      "tpu.region"() ({
        %run_scoped3A = tpu.sem_alloc : memref<!tpu.dma_semaphore, #tpu.memory_space<semaphore_mem>>
        %dma_start3A = tpu.memref_slice %arg3[%mul3A_103] : memref<320000xi32, #tpu.memory_space<hbm>> -> memref<128xi32, #tpu.memory_space<hbm>>
        %dma_start3A_116 = tpu.memref_slice %arg3[%mul3A_103] : memref<320000xi32, #tpu.memory_space<hbm>> -> memref<128xi32, #tpu.memory_space<hbm>>
        tpu.enqueue_dma source(%dma_start3A_116 : memref<128xi32, #tpu.memory_space<hbm>>) target(%arg15 : memref<128xi32, #tpu.memory_space<vmem>>) target_semaphore(%run_scoped3A : memref<!tpu.dma_semaphore, #tpu.memory_space<semaphore_mem>>)
        %dma_wait3A = tpu.memref_slice %arg3[%mul3A_103] : memref<320000xi32, #tpu.memory_space<hbm>> -> memref<128xi32, #tpu.memory_space<hbm>>
        %dma_wait3A_117 = tpu.memref_slice %arg3[%mul3A_103] : memref<320000xi32, #tpu.memory_space<hbm>> -> memref<128xi32, #tpu.memory_space<hbm>>
        tpu.wait_dma2 semaphore(%run_scoped3A : memref<!tpu.dma_semaphore, #tpu.memory_space<semaphore_mem>>) src(%dma_wait3A_117 : memref<128xi32, #tpu.memory_space<hbm>>) dst(%arg15 : memref<128xi32, #tpu.memory_space<vmem>>)
        tpu.yield
      }) : () -> ()
      "tpu.region"() ({
        %run_scoped3A = tpu.sem_alloc : memref<!tpu.dma_semaphore, #tpu.memory_space<semaphore_mem>>
        %dma_start3A = tpu.memref_slice %arg4[%mul3A_103] : memref<320000xi32, #tpu.memory_space<hbm>> -> memref<128xi32, #tpu.memory_space<hbm>>
        %dma_start3A_116 = tpu.memref_slice %arg4[%mul3A_103] : memref<320000xi32, #tpu.memory_space<hbm>> -> memref<128xi32, #tpu.memory_space<hbm>>
        tpu.enqueue_dma source(%dma_start3A_116 : memref<128xi32, #tpu.memory_space<hbm>>) target(%arg16 : memref<128xi32, #tpu.memory_space<vmem>>) target_semaphore(%run_scoped3A : memref<!tpu.dma_semaphore, #tpu.memory_space<semaphore_mem>>)
        %dma_wait3A = tpu.memref_slice %arg4[%mul3A_103] : memref<320000xi32, #tpu.memory_space<hbm>> -> memref<128xi32, #tpu.memory_space<hbm>>
        %dma_wait3A_117 = tpu.memref_slice %arg4[%mul3A_103] : memref<320000xi32, #tpu.memory_space<hbm>> -> memref<128xi32, #tpu.memory_space<hbm>>
        tpu.wait_dma2 semaphore(%run_scoped3A : memref<!tpu.dma_semaphore, #tpu.memory_space<semaphore_mem>>) src(%dma_wait3A_117 : memref<128xi32, #tpu.memory_space<hbm>>) dst(%arg16 : memref<128xi32, #tpu.memory_space<vmem>>)
        tpu.yield
      }) : () -> ()
      %scan3A_104 = arith.constant 0 : i32
      %scan3A_105 = arith.constant 0 : i32
      %scan3A_106 = arith.constant 8 : i32
      %scan3A_107 = arith.addi %scan3A_105, %scan3A_106 : i32
      %scan3A_108 = arith.constant 1 : i32
      scf.for %scan3A_116 = %scan3A_105 to %scan3A_107 step %scan3A_108  : i32 {
        %mul3A_117 = arith.constant 16 : i32
        %mul3A_118 = arith.muli %scan3A_116, %mul3A_117 : i32
        %get3A = arith.index_cast %mul3A_118 : i32 to index
        %get3A_119 = tpu.vector_load %arg15[%get3A] {strides = array<i32>} : memref<128xi32, #tpu.memory_space<vmem>>, vector<16xi32>,
        %get3A_120 = arith.index_cast %mul3A_118 : i32 to index
        %get3A_121 = tpu.vector_load %arg16[%get3A_120] {strides = array<i32>} : memref<128xi32, #tpu.memory_space<vmem>>, vector<16xi32>,
        %gather3A = tpu.vector_load_idx %arg12[%get3A_119] : memref<10000xf32, #tpu.memory_space<vmem>>[vector<16xi32>], vector<16xf32>,
        %gather3A_122 = tpu.vector_load_idx %arg13[%get3A_121] : memref<10000xf32, #tpu.memory_space<vmem>>[vector<16xi32>], vector<16xf32>,
        %add3A_123 = arith.addf %gather3A, %gather3A_122 : vector<16xf32>
        %mul3A_124 = arith.constant 2.000000e-01 : f32
        %mul3A_125 = vector.broadcast %mul3A_124 : f32 to vector<16xf32>
        %mul3A_126 = arith.mulf %mul3A_125, %add3A_123 : vector<16xf32>
        %max3A = arith.maximumf %add3A_123, %mul3A_126 : vector<16xf32>
        %exp3A = math.exp %max3A : vector<16xf32>
        %swap3A = arith.index_cast %mul3A_118 : i32 to index
        %swap3A_127 = tpu.vector_load %arg17[%swap3A] {strides = array<i32>} : memref<128xf32, #tpu.memory_space<vmem>>, vector<16xf32>,
        tpu.vector_store %arg17[%swap3A], %exp3A {strides = array<i32>} : memref<128xf32, #tpu.memory_space<vmem>>, vector<16xf32>,
        %add3A_128 = vector.broadcast %mul3A_39 : i32 to vector<16xi32>
        %add3A_129 = arith.addi %get3A_119, %add3A_128 : vector<16xi32>
        %swap3A_130 = arith.index_cast %mul3A_118 : i32 to index
        %swap3A_131 = tpu.vector_load %arg15[%swap3A_130] {strides = array<i32>} : memref<128xi32, #tpu.memory_space<vmem>>, vector<16xi32>,
        tpu.vector_store %arg15[%swap3A_130], %add3A_129 {strides = array<i32>} : memref<128xi32, #tpu.memory_space<vmem>>, vector<16xi32>,
      }
      %scan3A_109 = arith.constant 8 : i32
      "tpu.region"() ({
        %run_scoped3A = tpu.sem_alloc : memref<!tpu.dma_semaphore, #tpu.memory_space<semaphore_mem>>
        %dma_start3A = arith.constant 0 : i32
        %dma_start3A_116 = arith.constant 0 : i32
        %dma_start3A_117 = tpu.memref_slice %arg2[%dma_start3A, %dma_start3A_116] : memref<20000x128xf32, #tpu.memory_space<hbm>> -> memref<20000x128xf32, #tpu.memory_space<hbm>>
        tpu.enqueue_indirect_dma source(%dma_start3A_117 : memref<20000x128xf32, #tpu.memory_space<hbm>>) target(%arg11 : memref<128x128xf32, #tpu.memory_space<vmem>>) offsets(%arg15 : memref<128xi32, #tpu.memory_space<vmem>>) semaphore(%run_scoped3A : memref<!tpu.dma_semaphore, #tpu.memory_space<semaphore_mem>>)
        %dma_wait3A = arith.constant 0 : i32
        %dma_wait3A_118 = arith.constant 0 : i32
        %dma_wait3A_119 = tpu.memref_slice %arg2[%dma_wait3A, %dma_wait3A_118] : memref<20000x128xf32, #tpu.memory_space<hbm>> -> memref<20000x128xf32, #tpu.memory_space<hbm>>
        tpu.wait_indirect_dma semaphore(%run_scoped3A : memref<!tpu.dma_semaphore, #tpu.memory_space<semaphore_mem>>) src(%dma_wait3A_119 : memref<20000x128xf32, #tpu.memory_space<hbm>>) dst(%arg11 : memref<128x128xf32, #tpu.memory_space<vmem>>)
        tpu.yield
      }) : () -> ()
      %scan3A_110 = arith.constant 0 : i32
      %scan3A_111 = arith.constant 0 : i32
      %scan3A_112 = arith.constant 128 : i32
      %scan3A_113 = arith.addi %scan3A_111, %scan3A_112 : i32
      %scan3A_114 = arith.constant 1 : i32
      scf.for %scan3A_116 = %scan3A_111 to %scan3A_113 step %scan3A_114  : i32 {
        %broadcast_in_dim3A = vector.broadcast %scan3A_116 : i32 to vector<16xi32>
        %gather3A = tpu.vector_load_idx %arg17[%broadcast_in_dim3A] : memref<128xf32, #tpu.memory_space<vmem>>[vector<16xi32>], vector<16xf32>,
        %get3A = arith.index_cast %scan3A_116 : i32 to index
        %get3A_117 = arith.constant 0 : index
        %get3A_118 = tpu.vector_load %arg11[%get3A, %get3A_117] {strides = array<i32>} : memref<128x128xf32, #tpu.memory_space<vmem>>, vector<16xf32>,
        %mul3A_119 = arith.mulf %get3A_118, %gather3A : vector<16xf32>
        %swap3A = arith.index_cast %scan3A_116 : i32 to index
        %swap3A_120 = arith.constant 0 : index
        %swap3A_121 = tpu.vector_load %arg11[%swap3A, %swap3A_120] {strides = array<i32>} : memref<128x128xf32, #tpu.memory_space<vmem>>, vector<16xf32>,
        tpu.vector_store %arg11[%swap3A, %swap3A_120], %mul3A_119 {strides = array<i32>} : memref<128x128xf32, #tpu.memory_space<vmem>>, vector<16xf32>,
        %get3A_122 = arith.index_cast %scan3A_116 : i32 to index
        %get3A_123 = arith.constant 16 : index
        %get3A_124 = tpu.vector_load %arg11[%get3A_122, %get3A_123] {strides = array<i32>} : memref<128x128xf32, #tpu.memory_space<vmem>>, vector<16xf32>,
        %mul3A_125 = arith.mulf %get3A_124, %gather3A : vector<16xf32>
        %swap3A_126 = arith.index_cast %scan3A_116 : i32 to index
        %swap3A_127 = arith.constant 16 : index
        %swap3A_128 = tpu.vector_load %arg11[%swap3A_126, %swap3A_127] {strides = array<i32>} : memref<128x128xf32, #tpu.memory_space<vmem>>, vector<16xf32>,
        tpu.vector_store %arg11[%swap3A_126, %swap3A_127], %mul3A_125 {strides = array<i32>} : memref<128x128xf32, #tpu.memory_space<vmem>>, vector<16xf32>,
        %get3A_129 = arith.index_cast %scan3A_116 : i32 to index
        %get3A_130 = arith.constant 32 : index
        %get3A_131 = tpu.vector_load %arg11[%get3A_129, %get3A_130] {strides = array<i32>} : memref<128x128xf32, #tpu.memory_space<vmem>>, vector<16xf32>,
        %mul3A_132 = arith.mulf %get3A_131, %gather3A : vector<16xf32>
        %swap3A_133 = arith.index_cast %scan3A_116 : i32 to index
        %swap3A_134 = arith.constant 32 : index
        %swap3A_135 = tpu.vector_load %arg11[%swap3A_133, %swap3A_134] {strides = array<i32>} : memref<128x128xf32, #tpu.memory_space<vmem>>, vector<16xf32>,
        tpu.vector_store %arg11[%swap3A_133, %swap3A_134], %mul3A_132 {strides = array<i32>} : memref<128x128xf32, #tpu.memory_space<vmem>>, vector<16xf32>,
        %get3A_136 = arith.index_cast %scan3A_116 : i32 to index
        %get3A_137 = arith.constant 48 : index
        %get3A_138 = tpu.vector_load %arg11[%get3A_136, %get3A_137] {strides = array<i32>} : memref<128x128xf32, #tpu.memory_space<vmem>>, vector<16xf32>,
        %mul3A_139 = arith.mulf %get3A_138, %gather3A : vector<16xf32>
        %swap3A_140 = arith.index_cast %scan3A_116 : i32 to index
        %swap3A_141 = arith.constant 48 : index
        %swap3A_142 = tpu.vector_load %arg11[%swap3A_140, %swap3A_141] {strides = array<i32>} : memref<128x128xf32, #tpu.memory_space<vmem>>, vector<16xf32>,
        tpu.vector_store %arg11[%swap3A_140, %swap3A_141], %mul3A_139 {strides = array<i32>} : memref<128x128xf32, #tpu.memory_space<vmem>>, vector<16xf32>,
        %get3A_143 = arith.index_cast %scan3A_116 : i32 to index
        %get3A_144 = arith.constant 64 : index
        %get3A_145 = tpu.vector_load %arg11[%get3A_143, %get3A_144] {strides = array<i32>} : memref<128x128xf32, #tpu.memory_space<vmem>>, vector<16xf32>,
        %mul3A_146 = arith.mulf %get3A_145, %gather3A : vector<16xf32>
        %swap3A_147 = arith.index_cast %scan3A_116 : i32 to index
        %swap3A_148 = arith.constant 64 : index
        %swap3A_149 = tpu.vector_load %arg11[%swap3A_147, %swap3A_148] {strides = array<i32>} : memref<128x128xf32, #tpu.memory_space<vmem>>, vector<16xf32>,
        tpu.vector_store %arg11[%swap3A_147, %swap3A_148], %mul3A_146 {strides = array<i32>} : memref<128x128xf32, #tpu.memory_space<vmem>>, vector<16xf32>,
        %get3A_150 = arith.index_cast %scan3A_116 : i32 to index
        %get3A_151 = arith.constant 80 : index
        %get3A_152 = tpu.vector_load %arg11[%get3A_150, %get3A_151] {strides = array<i32>} : memref<128x128xf32, #tpu.memory_space<vmem>>, vector<16xf32>,
        %mul3A_153 = arith.mulf %get3A_152, %gather3A : vector<16xf32>
        %swap3A_154 = arith.index_cast %scan3A_116 : i32 to index
        %swap3A_155 = arith.constant 80 : index
        %swap3A_156 = tpu.vector_load %arg11[%swap3A_154, %swap3A_155] {strides = array<i32>} : memref<128x128xf32, #tpu.memory_space<vmem>>, vector<16xf32>,
        tpu.vector_store %arg11[%swap3A_154, %swap3A_155], %mul3A_153 {strides = array<i32>} : memref<128x128xf32, #tpu.memory_space<vmem>>, vector<16xf32>,
        %get3A_157 = arith.index_cast %scan3A_116 : i32 to index
        %get3A_158 = arith.constant 96 : index
        %get3A_159 = tpu.vector_load %arg11[%get3A_157, %get3A_158] {strides = array<i32>} : memref<128x128xf32, #tpu.memory_space<vmem>>, vector<16xf32>,
        %mul3A_160 = arith.mulf %get3A_159, %gather3A : vector<16xf32>
        %swap3A_161 = arith.index_cast %scan3A_116 : i32 to index
        %swap3A_162 = arith.constant 96 : index
        %swap3A_163 = tpu.vector_load %arg11[%swap3A_161, %swap3A_162] {strides = array<i32>} : memref<128x128xf32, #tpu.memory_space<vmem>>, vector<16xf32>,
        tpu.vector_store %arg11[%swap3A_161, %swap3A_162], %mul3A_160 {strides = array<i32>} : memref<128x128xf32, #tpu.memory_space<vmem>>, vector<16xf32>,
        %get3A_164 = arith.index_cast %scan3A_116 : i32 to index
        %get3A_165 = arith.constant 112 : index
        %get3A_166 = tpu.vector_load %arg11[%get3A_164, %get3A_165] {strides = array<i32>} : memref<128x128xf32, #tpu.memory_space<vmem>>, vector<16xf32>,
        %mul3A_167 = arith.mulf %get3A_166, %gather3A : vector<16xf32>
        %swap3A_168 = arith.index_cast %scan3A_116 : i32 to index
        %swap3A_169 = arith.constant 112 : index
        %swap3A_170 = tpu.vector_load %arg11[%swap3A_168, %swap3A_169] {strides = array<i32>} : memref<128x128xf32, #tpu.memory_space<vmem>>, vector<16xf32>,
        tpu.vector_store %arg11[%swap3A_168, %swap3A_169], %mul3A_167 {strides = array<i32>} : memref<128x128xf32, #tpu.memory_space<vmem>>, vector<16xf32>,
      }
      %scan3A_115 = arith.constant 128 : i32
      "tpu.region"() ({
        %run_scoped3A = tpu.sem_alloc : memref<!tpu.dma_semaphore, #tpu.memory_space<semaphore_mem>>
        %dma_start3A = arith.constant 0 : i32
        %dma_start3A_116 = arith.constant 0 : i32
        %dma_start3A_117 = tpu.memref_slice %arg9[%dma_start3A, %dma_start3A_116] : memref<10240x128xf32, #tpu.memory_space<vmem_shared>> -> memref<10240x128xf32, #tpu.memory_space<vmem_shared>>
        tpu.enqueue_indirect_dma source(%arg11 : memref<128x128xf32, #tpu.memory_space<vmem>>) target(%dma_start3A_117 : memref<10240x128xf32, #tpu.memory_space<vmem_shared>>) offsets(%arg16 : memref<128xi32, #tpu.memory_space<vmem>>) semaphore(%run_scoped3A : memref<!tpu.dma_semaphore, #tpu.memory_space<semaphore_mem>>) {add = true}
        %dma_wait3A = arith.constant 0 : i32
        %dma_wait3A_118 = arith.constant 0 : i32
        %dma_wait3A_119 = tpu.memref_slice %arg9[%dma_wait3A, %dma_wait3A_118] : memref<10240x128xf32, #tpu.memory_space<vmem_shared>> -> memref<10240x128xf32, #tpu.memory_space<vmem_shared>>
        tpu.wait_indirect_dma semaphore(%run_scoped3A : memref<!tpu.dma_semaphore, #tpu.memory_space<semaphore_mem>>) src(%arg11 : memref<128x128xf32, #tpu.memory_space<vmem>>) dst(%dma_wait3A_119 : memref<10240x128xf32, #tpu.memory_space<vmem_shared>>)
        tpu.yield
      }) : () -> ()
      "tpu.region"() ({
        %run_scoped3A = tpu.sem_alloc : memref<!tpu.dma_semaphore, #tpu.memory_space<semaphore_mem>>
        %dma_start3A = arith.constant 0 : i32
        %dma_start3A_116 = tpu.memref_slice %arg10[%dma_start3A] : memref<10240xf32, #tpu.memory_space<vmem_shared>> -> memref<10240xf32, #tpu.memory_space<vmem_shared>>
        tpu.enqueue_indirect_dma source(%arg17 : memref<128xf32, #tpu.memory_space<vmem>>) target(%dma_start3A_116 : memref<10240xf32, #tpu.memory_space<vmem_shared>>) offsets(%arg16 : memref<128xi32, #tpu.memory_space<vmem>>) semaphore(%run_scoped3A : memref<!tpu.dma_semaphore, #tpu.memory_space<semaphore_mem>>) {add = true}
        %dma_wait3A = arith.constant 0 : i32
        %dma_wait3A_117 = tpu.memref_slice %arg10[%dma_wait3A] : memref<10240xf32, #tpu.memory_space<vmem_shared>> -> memref<10240xf32, #tpu.memory_space<vmem_shared>>
        tpu.wait_indirect_dma semaphore(%run_scoped3A : memref<!tpu.dma_semaphore, #tpu.memory_space<semaphore_mem>>) src(%arg17 : memref<128xf32, #tpu.memory_space<vmem>>) dst(%dma_wait3A_117 : memref<10240xf32, #tpu.memory_space<vmem_shared>>)
        tpu.yield
      }) : () -> ()
    }
    %while3A_48 = arith.constant 1 : i32
    scf.for %while3A_101 = %while3A_46 to %while3A_42 step %while3A_48  : i32 {
      %mul3A_102 = arith.constant 128 : i32
      %mul3A_103 = arith.muli %while3A_101, %mul3A_102 : i32
      "tpu.region"() ({
        %run_scoped3A = tpu.sem_alloc : memref<!tpu.dma_semaphore, #tpu.memory_space<semaphore_mem>>
        %dma_start3A = tpu.memref_slice %arg3[%mul3A_103] : memref<320000xi32, #tpu.memory_space<hbm>> -> memref<128xi32, #tpu.memory_space<hbm>>
        %dma_start3A_116 = tpu.memref_slice %arg3[%mul3A_103] : memref<320000xi32, #tpu.memory_space<hbm>> -> memref<128xi32, #tpu.memory_space<hbm>>
        tpu.enqueue_dma source(%dma_start3A_116 : memref<128xi32, #tpu.memory_space<hbm>>) target(%arg15 : memref<128xi32, #tpu.memory_space<vmem>>) target_semaphore(%run_scoped3A : memref<!tpu.dma_semaphore, #tpu.memory_space<semaphore_mem>>)
        %dma_wait3A = tpu.memref_slice %arg3[%mul3A_103] : memref<320000xi32, #tpu.memory_space<hbm>> -> memref<128xi32, #tpu.memory_space<hbm>>
        %dma_wait3A_117 = tpu.memref_slice %arg3[%mul3A_103] : memref<320000xi32, #tpu.memory_space<hbm>> -> memref<128xi32, #tpu.memory_space<hbm>>
        tpu.wait_dma2 semaphore(%run_scoped3A : memref<!tpu.dma_semaphore, #tpu.memory_space<semaphore_mem>>) src(%dma_wait3A_117 : memref<128xi32, #tpu.memory_space<hbm>>) dst(%arg15 : memref<128xi32, #tpu.memory_space<vmem>>)
        tpu.yield
      }) : () -> ()
      "tpu.region"() ({
        %run_scoped3A = tpu.sem_alloc : memref<!tpu.dma_semaphore, #tpu.memory_space<semaphore_mem>>
        %dma_start3A = tpu.memref_slice %arg4[%mul3A_103] : memref<320000xi32, #tpu.memory_space<hbm>> -> memref<128xi32, #tpu.memory_space<hbm>>
        %dma_start3A_116 = tpu.memref_slice %arg4[%mul3A_103] : memref<320000xi32, #tpu.memory_space<hbm>> -> memref<128xi32, #tpu.memory_space<hbm>>
        tpu.enqueue_dma source(%dma_start3A_116 : memref<128xi32, #tpu.memory_space<hbm>>) target(%arg16 : memref<128xi32, #tpu.memory_space<vmem>>) target_semaphore(%run_scoped3A : memref<!tpu.dma_semaphore, #tpu.memory_space<semaphore_mem>>)
        %dma_wait3A = tpu.memref_slice %arg4[%mul3A_103] : memref<320000xi32, #tpu.memory_space<hbm>> -> memref<128xi32, #tpu.memory_space<hbm>>
        %dma_wait3A_117 = tpu.memref_slice %arg4[%mul3A_103] : memref<320000xi32, #tpu.memory_space<hbm>> -> memref<128xi32, #tpu.memory_space<hbm>>
        tpu.wait_dma2 semaphore(%run_scoped3A : memref<!tpu.dma_semaphore, #tpu.memory_space<semaphore_mem>>) src(%dma_wait3A_117 : memref<128xi32, #tpu.memory_space<hbm>>) dst(%arg16 : memref<128xi32, #tpu.memory_space<vmem>>)
        tpu.yield
      }) : () -> ()
      %scan3A_104 = arith.constant 0 : i32
      %scan3A_105 = arith.constant 0 : i32
      %scan3A_106 = arith.constant 8 : i32
      %scan3A_107 = arith.addi %scan3A_105, %scan3A_106 : i32
      %scan3A_108 = arith.constant 1 : i32
      scf.for %scan3A_116 = %scan3A_105 to %scan3A_107 step %scan3A_108  : i32 {
        %mul3A_117 = arith.constant 16 : i32
        %mul3A_118 = arith.muli %scan3A_116, %mul3A_117 : i32
        %get3A = arith.index_cast %mul3A_118 : i32 to index
        %get3A_119 = tpu.vector_load %arg15[%get3A] {strides = array<i32>} : memref<128xi32, #tpu.memory_space<vmem>>, vector<16xi32>,
        %get3A_120 = arith.index_cast %mul3A_118 : i32 to index
        %get3A_121 = tpu.vector_load %arg16[%get3A_120] {strides = array<i32>} : memref<128xi32, #tpu.memory_space<vmem>>, vector<16xi32>,
        %gather3A = tpu.vector_load_idx %arg12[%get3A_119] : memref<10000xf32, #tpu.memory_space<vmem>>[vector<16xi32>], vector<16xf32>,
        %gather3A_122 = tpu.vector_load_idx %arg13[%get3A_121] : memref<10000xf32, #tpu.memory_space<vmem>>[vector<16xi32>], vector<16xf32>,
        %add3A_123 = arith.addf %gather3A, %gather3A_122 : vector<16xf32>
        %mul3A_124 = arith.constant 2.000000e-01 : f32
        %mul3A_125 = vector.broadcast %mul3A_124 : f32 to vector<16xf32>
        %mul3A_126 = arith.mulf %mul3A_125, %add3A_123 : vector<16xf32>
        %max3A = arith.maximumf %add3A_123, %mul3A_126 : vector<16xf32>
        %exp3A = math.exp %max3A : vector<16xf32>
        %swap3A = arith.index_cast %mul3A_118 : i32 to index
        %swap3A_127 = tpu.vector_load %arg17[%swap3A] {strides = array<i32>} : memref<128xf32, #tpu.memory_space<vmem>>, vector<16xf32>,
        tpu.vector_store %arg17[%swap3A], %exp3A {strides = array<i32>} : memref<128xf32, #tpu.memory_space<vmem>>, vector<16xf32>,
        %add3A_128 = vector.broadcast %mul3A_39 : i32 to vector<16xi32>
        %add3A_129 = arith.addi %get3A_119, %add3A_128 : vector<16xi32>
        %swap3A_130 = arith.index_cast %mul3A_118 : i32 to index
        %swap3A_131 = tpu.vector_load %arg15[%swap3A_130] {strides = array<i32>} : memref<128xi32, #tpu.memory_space<vmem>>, vector<16xi32>,
        tpu.vector_store %arg15[%swap3A_130], %add3A_129 {strides = array<i32>} : memref<128xi32, #tpu.memory_space<vmem>>, vector<16xi32>,
      }
      %scan3A_109 = arith.constant 8 : i32
      "tpu.region"() ({
        %run_scoped3A = tpu.sem_alloc : memref<!tpu.dma_semaphore, #tpu.memory_space<semaphore_mem>>
        %dma_start3A = arith.constant 0 : i32
        %dma_start3A_116 = arith.constant 0 : i32
        %dma_start3A_117 = tpu.memref_slice %arg2[%dma_start3A, %dma_start3A_116] : memref<20000x128xf32, #tpu.memory_space<hbm>> -> memref<20000x128xf32, #tpu.memory_space<hbm>>
        tpu.enqueue_indirect_dma source(%dma_start3A_117 : memref<20000x128xf32, #tpu.memory_space<hbm>>) target(%arg11 : memref<128x128xf32, #tpu.memory_space<vmem>>) offsets(%arg15 : memref<128xi32, #tpu.memory_space<vmem>>) semaphore(%run_scoped3A : memref<!tpu.dma_semaphore, #tpu.memory_space<semaphore_mem>>)
        %dma_wait3A = arith.constant 0 : i32
        %dma_wait3A_118 = arith.constant 0 : i32
        %dma_wait3A_119 = tpu.memref_slice %arg2[%dma_wait3A, %dma_wait3A_118] : memref<20000x128xf32, #tpu.memory_space<hbm>> -> memref<20000x128xf32, #tpu.memory_space<hbm>>
        tpu.wait_indirect_dma semaphore(%run_scoped3A : memref<!tpu.dma_semaphore, #tpu.memory_space<semaphore_mem>>) src(%dma_wait3A_119 : memref<20000x128xf32, #tpu.memory_space<hbm>>) dst(%arg11 : memref<128x128xf32, #tpu.memory_space<vmem>>)
        tpu.yield
      }) : () -> ()
      %scan3A_110 = arith.constant 0 : i32
      %scan3A_111 = arith.constant 0 : i32
      %scan3A_112 = arith.constant 128 : i32
      %scan3A_113 = arith.addi %scan3A_111, %scan3A_112 : i32
      %scan3A_114 = arith.constant 1 : i32
      scf.for %scan3A_116 = %scan3A_111 to %scan3A_113 step %scan3A_114  : i32 {
        %broadcast_in_dim3A = vector.broadcast %scan3A_116 : i32 to vector<16xi32>
        %gather3A = tpu.vector_load_idx %arg17[%broadcast_in_dim3A] : memref<128xf32, #tpu.memory_space<vmem>>[vector<16xi32>], vector<16xf32>,
        %get3A = arith.index_cast %scan3A_116 : i32 to index
        %get3A_117 = arith.constant 0 : index
        %get3A_118 = tpu.vector_load %arg11[%get3A, %get3A_117] {strides = array<i32>} : memref<128x128xf32, #tpu.memory_space<vmem>>, vector<16xf32>,
        %mul3A_119 = arith.mulf %get3A_118, %gather3A : vector<16xf32>
        %swap3A = arith.index_cast %scan3A_116 : i32 to index
        %swap3A_120 = arith.constant 0 : index
        %swap3A_121 = tpu.vector_load %arg11[%swap3A, %swap3A_120] {strides = array<i32>} : memref<128x128xf32, #tpu.memory_space<vmem>>, vector<16xf32>,
        tpu.vector_store %arg11[%swap3A, %swap3A_120], %mul3A_119 {strides = array<i32>} : memref<128x128xf32, #tpu.memory_space<vmem>>, vector<16xf32>,
        %get3A_122 = arith.index_cast %scan3A_116 : i32 to index
        %get3A_123 = arith.constant 16 : index
        %get3A_124 = tpu.vector_load %arg11[%get3A_122, %get3A_123] {strides = array<i32>} : memref<128x128xf32, #tpu.memory_space<vmem>>, vector<16xf32>,
        %mul3A_125 = arith.mulf %get3A_124, %gather3A : vector<16xf32>
        %swap3A_126 = arith.index_cast %scan3A_116 : i32 to index
        %swap3A_127 = arith.constant 16 : index
        %swap3A_128 = tpu.vector_load %arg11[%swap3A_126, %swap3A_127] {strides = array<i32>} : memref<128x128xf32, #tpu.memory_space<vmem>>, vector<16xf32>,
        tpu.vector_store %arg11[%swap3A_126, %swap3A_127], %mul3A_125 {strides = array<i32>} : memref<128x128xf32, #tpu.memory_space<vmem>>, vector<16xf32>,
        %get3A_129 = arith.index_cast %scan3A_116 : i32 to index
        %get3A_130 = arith.constant 32 : index
        %get3A_131 = tpu.vector_load %arg11[%get3A_129, %get3A_130] {strides = array<i32>} : memref<128x128xf32, #tpu.memory_space<vmem>>, vector<16xf32>,
        %mul3A_132 = arith.mulf %get3A_131, %gather3A : vector<16xf32>
        %swap3A_133 = arith.index_cast %scan3A_116 : i32 to index
        %swap3A_134 = arith.constant 32 : index
        %swap3A_135 = tpu.vector_load %arg11[%swap3A_133, %swap3A_134] {strides = array<i32>} : memref<128x128xf32, #tpu.memory_space<vmem>>, vector<16xf32>,
        tpu.vector_store %arg11[%swap3A_133, %swap3A_134], %mul3A_132 {strides = array<i32>} : memref<128x128xf32, #tpu.memory_space<vmem>>, vector<16xf32>,
        %get3A_136 = arith.index_cast %scan3A_116 : i32 to index
        %get3A_137 = arith.constant 48 : index
        %get3A_138 = tpu.vector_load %arg11[%get3A_136, %get3A_137] {strides = array<i32>} : memref<128x128xf32, #tpu.memory_space<vmem>>, vector<16xf32>,
        %mul3A_139 = arith.mulf %get3A_138, %gather3A : vector<16xf32>
        %swap3A_140 = arith.index_cast %scan3A_116 : i32 to index
        %swap3A_141 = arith.constant 48 : index
        %swap3A_142 = tpu.vector_load %arg11[%swap3A_140, %swap3A_141] {strides = array<i32>} : memref<128x128xf32, #tpu.memory_space<vmem>>, vector<16xf32>,
        tpu.vector_store %arg11[%swap3A_140, %swap3A_141], %mul3A_139 {strides = array<i32>} : memref<128x128xf32, #tpu.memory_space<vmem>>, vector<16xf32>,
        %get3A_143 = arith.index_cast %scan3A_116 : i32 to index
        %get3A_144 = arith.constant 64 : index
        %get3A_145 = tpu.vector_load %arg11[%get3A_143, %get3A_144] {strides = array<i32>} : memref<128x128xf32, #tpu.memory_space<vmem>>, vector<16xf32>,
        %mul3A_146 = arith.mulf %get3A_145, %gather3A : vector<16xf32>
        %swap3A_147 = arith.index_cast %scan3A_116 : i32 to index
        %swap3A_148 = arith.constant 64 : index
        %swap3A_149 = tpu.vector_load %arg11[%swap3A_147, %swap3A_148] {strides = array<i32>} : memref<128x128xf32, #tpu.memory_space<vmem>>, vector<16xf32>,
        tpu.vector_store %arg11[%swap3A_147, %swap3A_148], %mul3A_146 {strides = array<i32>} : memref<128x128xf32, #tpu.memory_space<vmem>>, vector<16xf32>,
        %get3A_150 = arith.index_cast %scan3A_116 : i32 to index
        %get3A_151 = arith.constant 80 : index
        %get3A_152 = tpu.vector_load %arg11[%get3A_150, %get3A_151] {strides = array<i32>} : memref<128x128xf32, #tpu.memory_space<vmem>>, vector<16xf32>,
        %mul3A_153 = arith.mulf %get3A_152, %gather3A : vector<16xf32>
        %swap3A_154 = arith.index_cast %scan3A_116 : i32 to index
        %swap3A_155 = arith.constant 80 : index
        %swap3A_156 = tpu.vector_load %arg11[%swap3A_154, %swap3A_155] {strides = array<i32>} : memref<128x128xf32, #tpu.memory_space<vmem>>, vector<16xf32>,
        tpu.vector_store %arg11[%swap3A_154, %swap3A_155], %mul3A_153 {strides = array<i32>} : memref<128x128xf32, #tpu.memory_space<vmem>>, vector<16xf32>,
        %get3A_157 = arith.index_cast %scan3A_116 : i32 to index
        %get3A_158 = arith.constant 96 : index
        %get3A_159 = tpu.vector_load %arg11[%get3A_157, %get3A_158] {strides = array<i32>} : memref<128x128xf32, #tpu.memory_space<vmem>>, vector<16xf32>,
        %mul3A_160 = arith.mulf %get3A_159, %gather3A : vector<16xf32>
        %swap3A_161 = arith.index_cast %scan3A_116 : i32 to index
        %swap3A_162 = arith.constant 96 : index
        %swap3A_163 = tpu.vector_load %arg11[%swap3A_161, %swap3A_162] {strides = array<i32>} : memref<128x128xf32, #tpu.memory_space<vmem>>, vector<16xf32>,
        tpu.vector_store %arg11[%swap3A_161, %swap3A_162], %mul3A_160 {strides = array<i32>} : memref<128x128xf32, #tpu.memory_space<vmem>>, vector<16xf32>,
        %get3A_164 = arith.index_cast %scan3A_116 : i32 to index
        %get3A_165 = arith.constant 112 : index
        %get3A_166 = tpu.vector_load %arg11[%get3A_164, %get3A_165] {strides = array<i32>} : memref<128x128xf32, #tpu.memory_space<vmem>>, vector<16xf32>,
        %mul3A_167 = arith.mulf %get3A_166, %gather3A : vector<16xf32>
        %swap3A_168 = arith.index_cast %scan3A_116 : i32 to index
        %swap3A_169 = arith.constant 112 : index
        %swap3A_170 = tpu.vector_load %arg11[%swap3A_168, %swap3A_169] {strides = array<i32>} : memref<128x128xf32, #tpu.memory_space<vmem>>, vector<16xf32>,
        tpu.vector_store %arg11[%swap3A_168, %swap3A_169], %mul3A_167 {strides = array<i32>} : memref<128x128xf32, #tpu.memory_space<vmem>>, vector<16xf32>,
      }
      %scan3A_115 = arith.constant 128 : i32
      "tpu.region"() ({
        %run_scoped3A = tpu.sem_alloc : memref<!tpu.dma_semaphore, #tpu.memory_space<semaphore_mem>>
        %dma_start3A = arith.constant 0 : i32
        %dma_start3A_116 = arith.constant 0 : i32
        %dma_start3A_117 = tpu.memref_slice %arg9[%dma_start3A, %dma_start3A_116] : memref<10240x128xf32, #tpu.memory_space<vmem_shared>> -> memref<10240x128xf32, #tpu.memory_space<vmem_shared>>
        tpu.enqueue_indirect_dma source(%arg11 : memref<128x128xf32, #tpu.memory_space<vmem>>) target(%dma_start3A_117 : memref<10240x128xf32, #tpu.memory_space<vmem_shared>>) offsets(%arg16 : memref<128xi32, #tpu.memory_space<vmem>>) semaphore(%run_scoped3A : memref<!tpu.dma_semaphore, #tpu.memory_space<semaphore_mem>>) {add = true}
        %dma_wait3A = arith.constant 0 : i32
        %dma_wait3A_118 = arith.constant 0 : i32
        %dma_wait3A_119 = tpu.memref_slice %arg9[%dma_wait3A, %dma_wait3A_118] : memref<10240x128xf32, #tpu.memory_space<vmem_shared>> -> memref<10240x128xf32, #tpu.memory_space<vmem_shared>>
        tpu.wait_indirect_dma semaphore(%run_scoped3A : memref<!tpu.dma_semaphore, #tpu.memory_space<semaphore_mem>>) src(%arg11 : memref<128x128xf32, #tpu.memory_space<vmem>>) dst(%dma_wait3A_119 : memref<10240x128xf32, #tpu.memory_space<vmem_shared>>)
        tpu.yield
      }) : () -> ()
      "tpu.region"() ({
        %run_scoped3A = tpu.sem_alloc : memref<!tpu.dma_semaphore, #tpu.memory_space<semaphore_mem>>
        %dma_start3A = arith.constant 0 : i32
        %dma_start3A_116 = tpu.memref_slice %arg10[%dma_start3A] : memref<10240xf32, #tpu.memory_space<vmem_shared>> -> memref<10240xf32, #tpu.memory_space<vmem_shared>>
        tpu.enqueue_indirect_dma source(%arg17 : memref<128xf32, #tpu.memory_space<vmem>>) target(%dma_start3A_116 : memref<10240xf32, #tpu.memory_space<vmem_shared>>) offsets(%arg16 : memref<128xi32, #tpu.memory_space<vmem>>) semaphore(%run_scoped3A : memref<!tpu.dma_semaphore, #tpu.memory_space<semaphore_mem>>) {add = true}
        %dma_wait3A = arith.constant 0 : i32
        %dma_wait3A_117 = tpu.memref_slice %arg10[%dma_wait3A] : memref<10240xf32, #tpu.memory_space<vmem_shared>> -> memref<10240xf32, #tpu.memory_space<vmem_shared>>
        tpu.wait_indirect_dma semaphore(%run_scoped3A : memref<!tpu.dma_semaphore, #tpu.memory_space<semaphore_mem>>) src(%arg17 : memref<128xf32, #tpu.memory_space<vmem>>) dst(%dma_wait3A_117 : memref<10240xf32, #tpu.memory_space<vmem_shared>>)
        tpu.yield
      }) : () -> ()
    }
    %barrier3A_49 = arith.constant 0 : index
    tpu.barrier barrier_id(%barrier3A_49)
    %mul3A_50 = arith.constant 640 : i32
    %mul3A_51 = arith.muli %arg1, %mul3A_50 : i32
    "tpu.region"() ({
      %run_scoped3A = tpu.sem_alloc : memref<!tpu.dma_semaphore, #tpu.memory_space<semaphore_mem>>
      %dma_start3A = tpu.memref_slice %arg10[%mul3A_51] : memref<10240xf32, #tpu.memory_space<vmem_shared>> -> memref<640xf32, #tpu.memory_space<vmem_shared>>
      %dma_start3A_101 = tpu.memref_slice %arg10[%mul3A_51] : memref<10240xf32, #tpu.memory_space<vmem_shared>> -> memref<640xf32, #tpu.memory_space<vmem_shared>>
      tpu.enqueue_dma source(%dma_start3A_101 : memref<640xf32, #tpu.memory_space<vmem_shared>>) target(%arg14 : memref<640xf32, #tpu.memory_space<vmem>>) target_semaphore(%run_scoped3A : memref<!tpu.dma_semaphore, #tpu.memory_space<semaphore_mem>>)
      %dma_wait3A = tpu.memref_slice %arg10[%mul3A_51] : memref<10240xf32, #tpu.memory_space<vmem_shared>> -> memref<640xf32, #tpu.memory_space<vmem_shared>>
      %dma_wait3A_102 = tpu.memref_slice %arg10[%mul3A_51] : memref<10240xf32, #tpu.memory_space<vmem_shared>> -> memref<640xf32, #tpu.memory_space<vmem_shared>>
      tpu.wait_dma2 semaphore(%run_scoped3A : memref<!tpu.dma_semaphore, #tpu.memory_space<semaphore_mem>>) src(%dma_wait3A_102 : memref<640xf32, #tpu.memory_space<vmem_shared>>) dst(%arg14 : memref<640xf32, #tpu.memory_space<vmem>>)
      tpu.yield
    }) : () -> ()
    %mul3A_52 = arith.constant 640 : i32
    %mul3A_53 = arith.muli %arg1, %mul3A_52 : i32
    %add3A_54 = arith.constant 0 : i32
    %add3A_55 = arith.addi %mul3A_53, %add3A_54 : i32
    "tpu.region"() ({
      %run_scoped3A = tpu.sem_alloc : memref<!tpu.dma_semaphore, #tpu.memory_space<semaphore_mem>>
      %dma_start3A = arith.constant 0 : i32
      %dma_start3A_101 = tpu.memref_slice %arg9[%add3A_55, %dma_start3A] : memref<10240x128xf32, #tpu.memory_space<vmem_shared>> -> memref<128x128xf32, #tpu.memory_space<vmem_shared>>
      %dma_start3A_102 = arith.constant 0 : i32
      %dma_start3A_103 = tpu.memref_slice %arg9[%add3A_55, %dma_start3A_102] : memref<10240x128xf32, #tpu.memory_space<vmem_shared>> -> memref<128x128xf32, #tpu.memory_space<vmem_shared>>
      tpu.enqueue_dma source(%dma_start3A_103 : memref<128x128xf32, #tpu.memory_space<vmem_shared>>) target(%arg11 : memref<128x128xf32, #tpu.memory_space<vmem>>) target_semaphore(%run_scoped3A : memref<!tpu.dma_semaphore, #tpu.memory_space<semaphore_mem>>)
      %dma_wait3A = arith.constant 0 : i32
      %dma_wait3A_104 = tpu.memref_slice %arg9[%add3A_55, %dma_wait3A] : memref<10240x128xf32, #tpu.memory_space<vmem_shared>> -> memref<128x128xf32, #tpu.memory_space<vmem_shared>>
      %dma_wait3A_105 = arith.constant 0 : i32
      %dma_wait3A_106 = tpu.memref_slice %arg9[%add3A_55, %dma_wait3A_105] : memref<10240x128xf32, #tpu.memory_space<vmem_shared>> -> memref<128x128xf32, #tpu.memory_space<vmem_shared>>
      tpu.wait_dma2 semaphore(%run_scoped3A : memref<!tpu.dma_semaphore, #tpu.memory_space<semaphore_mem>>) src(%dma_wait3A_106 : memref<128x128xf32, #tpu.memory_space<vmem_shared>>) dst(%arg11 : memref<128x128xf32, #tpu.memory_space<vmem>>)
      tpu.yield
    }) : () -> ()
    %scan3A = arith.constant 0 : i32
    %scan3A_56 = arith.constant 0 : i32
    %scan3A_57 = arith.constant 128 : i32
    %scan3A_58 = arith.addi %scan3A_56, %scan3A_57 : i32
    %scan3A_59 = arith.constant 1 : i32
    scf.for %scan3A_101 = %scan3A_56 to %scan3A_58 step %scan3A_59  : i32 {
      %add3A_102 = arith.constant 0 : i32
      %add3A_103 = arith.addi %add3A_102, %scan3A_101 : i32
      %broadcast_in_dim3A = vector.broadcast %add3A_103 : i32 to vector<16xi32>
      %gather3A = tpu.vector_load_idx %arg14[%broadcast_in_dim3A] : memref<640xf32, #tpu.memory_space<vmem>>[vector<16xi32>], vector<16xf32>,
      %add3A_104 = arith.constant 1.000000e-16 : f32
      %add3A_105 = vector.broadcast %add3A_104 : f32 to vector<16xf32>
      %add3A_106 = arith.addf %gather3A, %add3A_105 : vector<16xf32>
      %div3A = arith.constant 1.000000e+00 : f32
      %div3A_107 = vector.broadcast %div3A : f32 to vector<16xf32>
      %div3A_108 = arith.divf %div3A_107, %add3A_106 : vector<16xf32>
      %get3A = arith.index_cast %scan3A_101 : i32 to index
      %get3A_109 = arith.constant 0 : index
      %get3A_110 = tpu.vector_load %arg11[%get3A, %get3A_109] {strides = array<i32>} : memref<128x128xf32, #tpu.memory_space<vmem>>, vector<16xf32>,
      %mul3A_111 = arith.mulf %get3A_110, %div3A_108 : vector<16xf32>
      %swap3A = arith.index_cast %scan3A_101 : i32 to index
      %swap3A_112 = arith.constant 0 : index
      %swap3A_113 = tpu.vector_load %arg11[%swap3A, %swap3A_112] {strides = array<i32>} : memref<128x128xf32, #tpu.memory_space<vmem>>, vector<16xf32>,
      tpu.vector_store %arg11[%swap3A, %swap3A_112], %mul3A_111 {strides = array<i32>} : memref<128x128xf32, #tpu.memory_space<vmem>>, vector<16xf32>,
      %get3A_114 = arith.index_cast %scan3A_101 : i32 to index
      %get3A_115 = arith.constant 16 : index
      %get3A_116 = tpu.vector_load %arg11[%get3A_114, %get3A_115] {strides = array<i32>} : memref<128x128xf32, #tpu.memory_space<vmem>>, vector<16xf32>,
      %mul3A_117 = arith.mulf %get3A_116, %div3A_108 : vector<16xf32>
      %swap3A_118 = arith.index_cast %scan3A_101 : i32 to index
      %swap3A_119 = arith.constant 16 : index
      %swap3A_120 = tpu.vector_load %arg11[%swap3A_118, %swap3A_119] {strides = array<i32>} : memref<128x128xf32, #tpu.memory_space<vmem>>, vector<16xf32>,
      tpu.vector_store %arg11[%swap3A_118, %swap3A_119], %mul3A_117 {strides = array<i32>} : memref<128x128xf32, #tpu.memory_space<vmem>>, vector<16xf32>,
      %get3A_121 = arith.index_cast %scan3A_101 : i32 to index
      %get3A_122 = arith.constant 32 : index
      %get3A_123 = tpu.vector_load %arg11[%get3A_121, %get3A_122] {strides = array<i32>} : memref<128x128xf32, #tpu.memory_space<vmem>>, vector<16xf32>,
      %mul3A_124 = arith.mulf %get3A_123, %div3A_108 : vector<16xf32>
      %swap3A_125 = arith.index_cast %scan3A_101 : i32 to index
      %swap3A_126 = arith.constant 32 : index
      %swap3A_127 = tpu.vector_load %arg11[%swap3A_125, %swap3A_126] {strides = array<i32>} : memref<128x128xf32, #tpu.memory_space<vmem>>, vector<16xf32>,
      tpu.vector_store %arg11[%swap3A_125, %swap3A_126], %mul3A_124 {strides = array<i32>} : memref<128x128xf32, #tpu.memory_space<vmem>>, vector<16xf32>,
      %get3A_128 = arith.index_cast %scan3A_101 : i32 to index
      %get3A_129 = arith.constant 48 : index
      %get3A_130 = tpu.vector_load %arg11[%get3A_128, %get3A_129] {strides = array<i32>} : memref<128x128xf32, #tpu.memory_space<vmem>>, vector<16xf32>,
      %mul3A_131 = arith.mulf %get3A_130, %div3A_108 : vector<16xf32>
      %swap3A_132 = arith.index_cast %scan3A_101 : i32 to index
      %swap3A_133 = arith.constant 48 : index
      %swap3A_134 = tpu.vector_load %arg11[%swap3A_132, %swap3A_133] {strides = array<i32>} : memref<128x128xf32, #tpu.memory_space<vmem>>, vector<16xf32>,
      tpu.vector_store %arg11[%swap3A_132, %swap3A_133], %mul3A_131 {strides = array<i32>} : memref<128x128xf32, #tpu.memory_space<vmem>>, vector<16xf32>,
      %get3A_135 = arith.index_cast %scan3A_101 : i32 to index
      %get3A_136 = arith.constant 64 : index
      %get3A_137 = tpu.vector_load %arg11[%get3A_135, %get3A_136] {strides = array<i32>} : memref<128x128xf32, #tpu.memory_space<vmem>>, vector<16xf32>,
      %mul3A_138 = arith.mulf %get3A_137, %div3A_108 : vector<16xf32>
      %swap3A_139 = arith.index_cast %scan3A_101 : i32 to index
      %swap3A_140 = arith.constant 64 : index
      %swap3A_141 = tpu.vector_load %arg11[%swap3A_139, %swap3A_140] {strides = array<i32>} : memref<128x128xf32, #tpu.memory_space<vmem>>, vector<16xf32>,
      tpu.vector_store %arg11[%swap3A_139, %swap3A_140], %mul3A_138 {strides = array<i32>} : memref<128x128xf32, #tpu.memory_space<vmem>>, vector<16xf32>,
      %get3A_142 = arith.index_cast %scan3A_101 : i32 to index
      %get3A_143 = arith.constant 80 : index
      %get3A_144 = tpu.vector_load %arg11[%get3A_142, %get3A_143] {strides = array<i32>} : memref<128x128xf32, #tpu.memory_space<vmem>>, vector<16xf32>,
      %mul3A_145 = arith.mulf %get3A_144, %div3A_108 : vector<16xf32>
      %swap3A_146 = arith.index_cast %scan3A_101 : i32 to index
      %swap3A_147 = arith.constant 80 : index
      %swap3A_148 = tpu.vector_load %arg11[%swap3A_146, %swap3A_147] {strides = array<i32>} : memref<128x128xf32, #tpu.memory_space<vmem>>, vector<16xf32>,
      tpu.vector_store %arg11[%swap3A_146, %swap3A_147], %mul3A_145 {strides = array<i32>} : memref<128x128xf32, #tpu.memory_space<vmem>>, vector<16xf32>,
      %get3A_149 = arith.index_cast %scan3A_101 : i32 to index
      %get3A_150 = arith.constant 96 : index
      %get3A_151 = tpu.vector_load %arg11[%get3A_149, %get3A_150] {strides = array<i32>} : memref<128x128xf32, #tpu.memory_space<vmem>>, vector<16xf32>,
      %mul3A_152 = arith.mulf %get3A_151, %div3A_108 : vector<16xf32>
      %swap3A_153 = arith.index_cast %scan3A_101 : i32 to index
      %swap3A_154 = arith.constant 96 : index
      %swap3A_155 = tpu.vector_load %arg11[%swap3A_153, %swap3A_154] {strides = array<i32>} : memref<128x128xf32, #tpu.memory_space<vmem>>, vector<16xf32>,
      tpu.vector_store %arg11[%swap3A_153, %swap3A_154], %mul3A_152 {strides = array<i32>} : memref<128x128xf32, #tpu.memory_space<vmem>>, vector<16xf32>,
      %get3A_156 = arith.index_cast %scan3A_101 : i32 to index
      %get3A_157 = arith.constant 112 : index
      %get3A_158 = tpu.vector_load %arg11[%get3A_156, %get3A_157] {strides = array<i32>} : memref<128x128xf32, #tpu.memory_space<vmem>>, vector<16xf32>,
      %mul3A_159 = arith.mulf %get3A_158, %div3A_108 : vector<16xf32>
      %swap3A_160 = arith.index_cast %scan3A_101 : i32 to index
      %swap3A_161 = arith.constant 112 : index
      %swap3A_162 = tpu.vector_load %arg11[%swap3A_160, %swap3A_161] {strides = array<i32>} : memref<128x128xf32, #tpu.memory_space<vmem>>, vector<16xf32>,
      tpu.vector_store %arg11[%swap3A_160, %swap3A_161], %mul3A_159 {strides = array<i32>} : memref<128x128xf32, #tpu.memory_space<vmem>>, vector<16xf32>,
    }
    %scan3A_60 = arith.constant 128 : i32
    "tpu.region"() ({
      %run_scoped3A = tpu.sem_alloc : memref<!tpu.dma_semaphore, #tpu.memory_space<semaphore_mem>>
      %dma_start3A = arith.constant 0 : i32
      %dma_start3A_101 = tpu.memref_slice %arg8[%arg0, %add3A_55, %dma_start3A] : memref<2x10240x128xf32, #tpu.memory_space<hbm>> -> memref<1x128x128xf32, #tpu.memory_space<hbm>>
      %dma_start3A_102 = tpu.memref_squeeze %dma_start3A_101 : memref<1x128x128xf32, #tpu.memory_space<hbm>> -> memref<128x128xf32, #tpu.memory_space<hbm>>
      %dma_start3A_103 = arith.constant 0 : i32
      %dma_start3A_104 = tpu.memref_slice %arg8[%arg0, %add3A_55, %dma_start3A_103] : memref<2x10240x128xf32, #tpu.memory_space<hbm>> -> memref<1x128x128xf32, #tpu.memory_space<hbm>>
      %dma_start3A_105 = tpu.memref_squeeze %dma_start3A_104 : memref<1x128x128xf32, #tpu.memory_space<hbm>> -> memref<128x128xf32, #tpu.memory_space<hbm>>
      tpu.enqueue_dma source(%arg11 : memref<128x128xf32, #tpu.memory_space<vmem>>) target(%dma_start3A_105 : memref<128x128xf32, #tpu.memory_space<hbm>>) target_semaphore(%run_scoped3A : memref<!tpu.dma_semaphore, #tpu.memory_space<semaphore_mem>>)
      %dma_wait3A = arith.constant 0 : i32
      %dma_wait3A_106 = tpu.memref_slice %arg8[%arg0, %add3A_55, %dma_wait3A] : memref<2x10240x128xf32, #tpu.memory_space<hbm>> -> memref<1x128x128xf32, #tpu.memory_space<hbm>>
      %dma_wait3A_107 = tpu.memref_squeeze %dma_wait3A_106 : memref<1x128x128xf32, #tpu.memory_space<hbm>> -> memref<128x128xf32, #tpu.memory_space<hbm>>
      %dma_wait3A_108 = arith.constant 0 : i32
      %dma_wait3A_109 = tpu.memref_slice %arg8[%arg0, %add3A_55, %dma_wait3A_108] : memref<2x10240x128xf32, #tpu.memory_space<hbm>> -> memref<1x128x128xf32, #tpu.memory_space<hbm>>
      %dma_wait3A_110 = tpu.memref_squeeze %dma_wait3A_109 : memref<1x128x128xf32, #tpu.memory_space<hbm>> -> memref<128x128xf32, #tpu.memory_space<hbm>>
      tpu.wait_dma2 semaphore(%run_scoped3A : memref<!tpu.dma_semaphore, #tpu.memory_space<semaphore_mem>>) src(%arg11 : memref<128x128xf32, #tpu.memory_space<vmem>>) dst(%dma_wait3A_110 : memref<128x128xf32, #tpu.memory_space<hbm>>)
      tpu.yield
    }) : () -> ()
    %mul3A_61 = arith.constant 640 : i32
    %mul3A_62 = arith.muli %arg1, %mul3A_61 : i32
    %add3A_63 = arith.constant 128 : i32
    %add3A_64 = arith.addi %mul3A_62, %add3A_63 : i32
    "tpu.region"() ({
      %run_scoped3A = tpu.sem_alloc : memref<!tpu.dma_semaphore, #tpu.memory_space<semaphore_mem>>
      %dma_start3A = arith.constant 0 : i32
      %dma_start3A_101 = tpu.memref_slice %arg9[%add3A_64, %dma_start3A] : memref<10240x128xf32, #tpu.memory_space<vmem_shared>> -> memref<128x128xf32, #tpu.memory_space<vmem_shared>>
      %dma_start3A_102 = arith.constant 0 : i32
      %dma_start3A_103 = tpu.memref_slice %arg9[%add3A_64, %dma_start3A_102] : memref<10240x128xf32, #tpu.memory_space<vmem_shared>> -> memref<128x128xf32, #tpu.memory_space<vmem_shared>>
      tpu.enqueue_dma source(%dma_start3A_103 : memref<128x128xf32, #tpu.memory_space<vmem_shared>>) target(%arg11 : memref<128x128xf32, #tpu.memory_space<vmem>>) target_semaphore(%run_scoped3A : memref<!tpu.dma_semaphore, #tpu.memory_space<semaphore_mem>>)
      %dma_wait3A = arith.constant 0 : i32
      %dma_wait3A_104 = tpu.memref_slice %arg9[%add3A_64, %dma_wait3A] : memref<10240x128xf32, #tpu.memory_space<vmem_shared>> -> memref<128x128xf32, #tpu.memory_space<vmem_shared>>
      %dma_wait3A_105 = arith.constant 0 : i32
      %dma_wait3A_106 = tpu.memref_slice %arg9[%add3A_64, %dma_wait3A_105] : memref<10240x128xf32, #tpu.memory_space<vmem_shared>> -> memref<128x128xf32, #tpu.memory_space<vmem_shared>>
      tpu.wait_dma2 semaphore(%run_scoped3A : memref<!tpu.dma_semaphore, #tpu.memory_space<semaphore_mem>>) src(%dma_wait3A_106 : memref<128x128xf32, #tpu.memory_space<vmem_shared>>) dst(%arg11 : memref<128x128xf32, #tpu.memory_space<vmem>>)
      tpu.yield
    }) : () -> ()
    %scan3A_65 = arith.constant 0 : i32
    %scan3A_66 = arith.constant 0 : i32
    %scan3A_67 = arith.constant 128 : i32
    %scan3A_68 = arith.addi %scan3A_66, %scan3A_67 : i32
    %scan3A_69 = arith.constant 1 : i32
    scf.for %scan3A_101 = %scan3A_66 to %scan3A_68 step %scan3A_69  : i32 {
      %add3A_102 = arith.constant 128 : i32
      %add3A_103 = arith.addi %add3A_102, %scan3A_101 : i32
      %broadcast_in_dim3A = vector.broadcast %add3A_103 : i32 to vector<16xi32>
      %gather3A = tpu.vector_load_idx %arg14[%broadcast_in_dim3A] : memref<640xf32, #tpu.memory_space<vmem>>[vector<16xi32>], vector<16xf32>,
      %add3A_104 = arith.constant 1.000000e-16 : f32
      %add3A_105 = vector.broadcast %add3A_104 : f32 to vector<16xf32>
      %add3A_106 = arith.addf %gather3A, %add3A_105 : vector<16xf32>
      %div3A = arith.constant 1.000000e+00 : f32
      %div3A_107 = vector.broadcast %div3A : f32 to vector<16xf32>
      %div3A_108 = arith.divf %div3A_107, %add3A_106 : vector<16xf32>
      %get3A = arith.index_cast %scan3A_101 : i32 to index
      %get3A_109 = arith.constant 0 : index
      %get3A_110 = tpu.vector_load %arg11[%get3A, %get3A_109] {strides = array<i32>} : memref<128x128xf32, #tpu.memory_space<vmem>>, vector<16xf32>,
      %mul3A_111 = arith.mulf %get3A_110, %div3A_108 : vector<16xf32>
      %swap3A = arith.index_cast %scan3A_101 : i32 to index
      %swap3A_112 = arith.constant 0 : index
      %swap3A_113 = tpu.vector_load %arg11[%swap3A, %swap3A_112] {strides = array<i32>} : memref<128x128xf32, #tpu.memory_space<vmem>>, vector<16xf32>,
      tpu.vector_store %arg11[%swap3A, %swap3A_112], %mul3A_111 {strides = array<i32>} : memref<128x128xf32, #tpu.memory_space<vmem>>, vector<16xf32>,
      %get3A_114 = arith.index_cast %scan3A_101 : i32 to index
      %get3A_115 = arith.constant 16 : index
      %get3A_116 = tpu.vector_load %arg11[%get3A_114, %get3A_115] {strides = array<i32>} : memref<128x128xf32, #tpu.memory_space<vmem>>, vector<16xf32>,
      %mul3A_117 = arith.mulf %get3A_116, %div3A_108 : vector<16xf32>
      %swap3A_118 = arith.index_cast %scan3A_101 : i32 to index
      %swap3A_119 = arith.constant 16 : index
      %swap3A_120 = tpu.vector_load %arg11[%swap3A_118, %swap3A_119] {strides = array<i32>} : memref<128x128xf32, #tpu.memory_space<vmem>>, vector<16xf32>,
      tpu.vector_store %arg11[%swap3A_118, %swap3A_119], %mul3A_117 {strides = array<i32>} : memref<128x128xf32, #tpu.memory_space<vmem>>, vector<16xf32>,
      %get3A_121 = arith.index_cast %scan3A_101 : i32 to index
      %get3A_122 = arith.constant 32 : index
      %get3A_123 = tpu.vector_load %arg11[%get3A_121, %get3A_122] {strides = array<i32>} : memref<128x128xf32, #tpu.memory_space<vmem>>, vector<16xf32>,
      %mul3A_124 = arith.mulf %get3A_123, %div3A_108 : vector<16xf32>
      %swap3A_125 = arith.index_cast %scan3A_101 : i32 to index
      %swap3A_126 = arith.constant 32 : index
      %swap3A_127 = tpu.vector_load %arg11[%swap3A_125, %swap3A_126] {strides = array<i32>} : memref<128x128xf32, #tpu.memory_space<vmem>>, vector<16xf32>,
      tpu.vector_store %arg11[%swap3A_125, %swap3A_126], %mul3A_124 {strides = array<i32>} : memref<128x128xf32, #tpu.memory_space<vmem>>, vector<16xf32>,
      %get3A_128 = arith.index_cast %scan3A_101 : i32 to index
      %get3A_129 = arith.constant 48 : index
      %get3A_130 = tpu.vector_load %arg11[%get3A_128, %get3A_129] {strides = array<i32>} : memref<128x128xf32, #tpu.memory_space<vmem>>, vector<16xf32>,
      %mul3A_131 = arith.mulf %get3A_130, %div3A_108 : vector<16xf32>
      %swap3A_132 = arith.index_cast %scan3A_101 : i32 to index
      %swap3A_133 = arith.constant 48 : index
      %swap3A_134 = tpu.vector_load %arg11[%swap3A_132, %swap3A_133] {strides = array<i32>} : memref<128x128xf32, #tpu.memory_space<vmem>>, vector<16xf32>,
      tpu.vector_store %arg11[%swap3A_132, %swap3A_133], %mul3A_131 {strides = array<i32>} : memref<128x128xf32, #tpu.memory_space<vmem>>, vector<16xf32>,
      %get3A_135 = arith.index_cast %scan3A_101 : i32 to index
      %get3A_136 = arith.constant 64 : index
      %get3A_137 = tpu.vector_load %arg11[%get3A_135, %get3A_136] {strides = array<i32>} : memref<128x128xf32, #tpu.memory_space<vmem>>, vector<16xf32>,
      %mul3A_138 = arith.mulf %get3A_137, %div3A_108 : vector<16xf32>
      %swap3A_139 = arith.index_cast %scan3A_101 : i32 to index
      %swap3A_140 = arith.constant 64 : index
      %swap3A_141 = tpu.vector_load %arg11[%swap3A_139, %swap3A_140] {strides = array<i32>} : memref<128x128xf32, #tpu.memory_space<vmem>>, vector<16xf32>,
      tpu.vector_store %arg11[%swap3A_139, %swap3A_140], %mul3A_138 {strides = array<i32>} : memref<128x128xf32, #tpu.memory_space<vmem>>, vector<16xf32>,
      %get3A_142 = arith.index_cast %scan3A_101 : i32 to index
      %get3A_143 = arith.constant 80 : index
      %get3A_144 = tpu.vector_load %arg11[%get3A_142, %get3A_143] {strides = array<i32>} : memref<128x128xf32, #tpu.memory_space<vmem>>, vector<16xf32>,
      %mul3A_145 = arith.mulf %get3A_144, %div3A_108 : vector<16xf32>
      %swap3A_146 = arith.index_cast %scan3A_101 : i32 to index
      %swap3A_147 = arith.constant 80 : index
      %swap3A_148 = tpu.vector_load %arg11[%swap3A_146, %swap3A_147] {strides = array<i32>} : memref<128x128xf32, #tpu.memory_space<vmem>>, vector<16xf32>,
      tpu.vector_store %arg11[%swap3A_146, %swap3A_147], %mul3A_145 {strides = array<i32>} : memref<128x128xf32, #tpu.memory_space<vmem>>, vector<16xf32>,
      %get3A_149 = arith.index_cast %scan3A_101 : i32 to index
      %get3A_150 = arith.constant 96 : index
      %get3A_151 = tpu.vector_load %arg11[%get3A_149, %get3A_150] {strides = array<i32>} : memref<128x128xf32, #tpu.memory_space<vmem>>, vector<16xf32>,
      %mul3A_152 = arith.mulf %get3A_151, %div3A_108 : vector<16xf32>
      %swap3A_153 = arith.index_cast %scan3A_101 : i32 to index
      %swap3A_154 = arith.constant 96 : index
      %swap3A_155 = tpu.vector_load %arg11[%swap3A_153, %swap3A_154] {strides = array<i32>} : memref<128x128xf32, #tpu.memory_space<vmem>>, vector<16xf32>,
      tpu.vector_store %arg11[%swap3A_153, %swap3A_154], %mul3A_152 {strides = array<i32>} : memref<128x128xf32, #tpu.memory_space<vmem>>, vector<16xf32>,
      %get3A_156 = arith.index_cast %scan3A_101 : i32 to index
      %get3A_157 = arith.constant 112 : index
      %get3A_158 = tpu.vector_load %arg11[%get3A_156, %get3A_157] {strides = array<i32>} : memref<128x128xf32, #tpu.memory_space<vmem>>, vector<16xf32>,
      %mul3A_159 = arith.mulf %get3A_158, %div3A_108 : vector<16xf32>
      %swap3A_160 = arith.index_cast %scan3A_101 : i32 to index
      %swap3A_161 = arith.constant 112 : index
      %swap3A_162 = tpu.vector_load %arg11[%swap3A_160, %swap3A_161] {strides = array<i32>} : memref<128x128xf32, #tpu.memory_space<vmem>>, vector<16xf32>,
      tpu.vector_store %arg11[%swap3A_160, %swap3A_161], %mul3A_159 {strides = array<i32>} : memref<128x128xf32, #tpu.memory_space<vmem>>, vector<16xf32>,
    }
    %scan3A_70 = arith.constant 128 : i32
    "tpu.region"() ({
      %run_scoped3A = tpu.sem_alloc : memref<!tpu.dma_semaphore, #tpu.memory_space<semaphore_mem>>
      %dma_start3A = arith.constant 0 : i32
      %dma_start3A_101 = tpu.memref_slice %arg8[%arg0, %add3A_64, %dma_start3A] : memref<2x10240x128xf32, #tpu.memory_space<hbm>> -> memref<1x128x128xf32, #tpu.memory_space<hbm>>
      %dma_start3A_102 = tpu.memref_squeeze %dma_start3A_101 : memref<1x128x128xf32, #tpu.memory_space<hbm>> -> memref<128x128xf32, #tpu.memory_space<hbm>>
      %dma_start3A_103 = arith.constant 0 : i32
      %dma_start3A_104 = tpu.memref_slice %arg8[%arg0, %add3A_64, %dma_start3A_103] : memref<2x10240x128xf32, #tpu.memory_space<hbm>> -> memref<1x128x128xf32, #tpu.memory_space<hbm>>
      %dma_start3A_105 = tpu.memref_squeeze %dma_start3A_104 : memref<1x128x128xf32, #tpu.memory_space<hbm>> -> memref<128x128xf32, #tpu.memory_space<hbm>>
      tpu.enqueue_dma source(%arg11 : memref<128x128xf32, #tpu.memory_space<vmem>>) target(%dma_start3A_105 : memref<128x128xf32, #tpu.memory_space<hbm>>) target_semaphore(%run_scoped3A : memref<!tpu.dma_semaphore, #tpu.memory_space<semaphore_mem>>)
      %dma_wait3A = arith.constant 0 : i32
      %dma_wait3A_106 = tpu.memref_slice %arg8[%arg0, %add3A_64, %dma_wait3A] : memref<2x10240x128xf32, #tpu.memory_space<hbm>> -> memref<1x128x128xf32, #tpu.memory_space<hbm>>
      %dma_wait3A_107 = tpu.memref_squeeze %dma_wait3A_106 : memref<1x128x128xf32, #tpu.memory_space<hbm>> -> memref<128x128xf32, #tpu.memory_space<hbm>>
      %dma_wait3A_108 = arith.constant 0 : i32
      %dma_wait3A_109 = tpu.memref_slice %arg8[%arg0, %add3A_64, %dma_wait3A_108] : memref<2x10240x128xf32, #tpu.memory_space<hbm>> -> memref<1x128x128xf32, #tpu.memory_space<hbm>>
      %dma_wait3A_110 = tpu.memref_squeeze %dma_wait3A_109 : memref<1x128x128xf32, #tpu.memory_space<hbm>> -> memref<128x128xf32, #tpu.memory_space<hbm>>
      tpu.wait_dma2 semaphore(%run_scoped3A : memref<!tpu.dma_semaphore, #tpu.memory_space<semaphore_mem>>) src(%arg11 : memref<128x128xf32, #tpu.memory_space<vmem>>) dst(%dma_wait3A_110 : memref<128x128xf32, #tpu.memory_space<hbm>>)
      tpu.yield
    }) : () -> ()
    %mul3A_71 = arith.constant 640 : i32
    %mul3A_72 = arith.muli %arg1, %mul3A_71 : i32
    %add3A_73 = arith.constant 256 : i32
    %add3A_74 = arith.addi %mul3A_72, %add3A_73 : i32
    "tpu.region"() ({
      %run_scoped3A = tpu.sem_alloc : memref<!tpu.dma_semaphore, #tpu.memory_space<semaphore_mem>>
      %dma_start3A = arith.constant 0 : i32
      %dma_start3A_101 = tpu.memref_slice %arg9[%add3A_74, %dma_start3A] : memref<10240x128xf32, #tpu.memory_space<vmem_shared>> -> memref<128x128xf32, #tpu.memory_space<vmem_shared>>
      %dma_start3A_102 = arith.constant 0 : i32
      %dma_start3A_103 = tpu.memref_slice %arg9[%add3A_74, %dma_start3A_102] : memref<10240x128xf32, #tpu.memory_space<vmem_shared>> -> memref<128x128xf32, #tpu.memory_space<vmem_shared>>
      tpu.enqueue_dma source(%dma_start3A_103 : memref<128x128xf32, #tpu.memory_space<vmem_shared>>) target(%arg11 : memref<128x128xf32, #tpu.memory_space<vmem>>) target_semaphore(%run_scoped3A : memref<!tpu.dma_semaphore, #tpu.memory_space<semaphore_mem>>)
      %dma_wait3A = arith.constant 0 : i32
      %dma_wait3A_104 = tpu.memref_slice %arg9[%add3A_74, %dma_wait3A] : memref<10240x128xf32, #tpu.memory_space<vmem_shared>> -> memref<128x128xf32, #tpu.memory_space<vmem_shared>>
      %dma_wait3A_105 = arith.constant 0 : i32
      %dma_wait3A_106 = tpu.memref_slice %arg9[%add3A_74, %dma_wait3A_105] : memref<10240x128xf32, #tpu.memory_space<vmem_shared>> -> memref<128x128xf32, #tpu.memory_space<vmem_shared>>
      tpu.wait_dma2 semaphore(%run_scoped3A : memref<!tpu.dma_semaphore, #tpu.memory_space<semaphore_mem>>) src(%dma_wait3A_106 : memref<128x128xf32, #tpu.memory_space<vmem_shared>>) dst(%arg11 : memref<128x128xf32, #tpu.memory_space<vmem>>)
      tpu.yield
    }) : () -> ()
    %scan3A_75 = arith.constant 0 : i32
    %scan3A_76 = arith.constant 0 : i32
    %scan3A_77 = arith.constant 128 : i32
    %scan3A_78 = arith.addi %scan3A_76, %scan3A_77 : i32
    %scan3A_79 = arith.constant 1 : i32
    scf.for %scan3A_101 = %scan3A_76 to %scan3A_78 step %scan3A_79  : i32 {
      %add3A_102 = arith.constant 256 : i32
      %add3A_103 = arith.addi %add3A_102, %scan3A_101 : i32
      %broadcast_in_dim3A = vector.broadcast %add3A_103 : i32 to vector<16xi32>
      %gather3A = tpu.vector_load_idx %arg14[%broadcast_in_dim3A] : memref<640xf32, #tpu.memory_space<vmem>>[vector<16xi32>], vector<16xf32>,
      %add3A_104 = arith.constant 1.000000e-16 : f32
      %add3A_105 = vector.broadcast %add3A_104 : f32 to vector<16xf32>
      %add3A_106 = arith.addf %gather3A, %add3A_105 : vector<16xf32>
      %div3A = arith.constant 1.000000e+00 : f32
      %div3A_107 = vector.broadcast %div3A : f32 to vector<16xf32>
      %div3A_108 = arith.divf %div3A_107, %add3A_106 : vector<16xf32>
      %get3A = arith.index_cast %scan3A_101 : i32 to index
      %get3A_109 = arith.constant 0 : index
      %get3A_110 = tpu.vector_load %arg11[%get3A, %get3A_109] {strides = array<i32>} : memref<128x128xf32, #tpu.memory_space<vmem>>, vector<16xf32>,
      %mul3A_111 = arith.mulf %get3A_110, %div3A_108 : vector<16xf32>
      %swap3A = arith.index_cast %scan3A_101 : i32 to index
      %swap3A_112 = arith.constant 0 : index
      %swap3A_113 = tpu.vector_load %arg11[%swap3A, %swap3A_112] {strides = array<i32>} : memref<128x128xf32, #tpu.memory_space<vmem>>, vector<16xf32>,
      tpu.vector_store %arg11[%swap3A, %swap3A_112], %mul3A_111 {strides = array<i32>} : memref<128x128xf32, #tpu.memory_space<vmem>>, vector<16xf32>,
      %get3A_114 = arith.index_cast %scan3A_101 : i32 to index
      %get3A_115 = arith.constant 16 : index
      %get3A_116 = tpu.vector_load %arg11[%get3A_114, %get3A_115] {strides = array<i32>} : memref<128x128xf32, #tpu.memory_space<vmem>>, vector<16xf32>,
      %mul3A_117 = arith.mulf %get3A_116, %div3A_108 : vector<16xf32>
      %swap3A_118 = arith.index_cast %scan3A_101 : i32 to index
      %swap3A_119 = arith.constant 16 : index
      %swap3A_120 = tpu.vector_load %arg11[%swap3A_118, %swap3A_119] {strides = array<i32>} : memref<128x128xf32, #tpu.memory_space<vmem>>, vector<16xf32>,
      tpu.vector_store %arg11[%swap3A_118, %swap3A_119], %mul3A_117 {strides = array<i32>} : memref<128x128xf32, #tpu.memory_space<vmem>>, vector<16xf32>,
      %get3A_121 = arith.index_cast %scan3A_101 : i32 to index
      %get3A_122 = arith.constant 32 : index
      %get3A_123 = tpu.vector_load %arg11[%get3A_121, %get3A_122] {strides = array<i32>} : memref<128x128xf32, #tpu.memory_space<vmem>>, vector<16xf32>,
      %mul3A_124 = arith.mulf %get3A_123, %div3A_108 : vector<16xf32>
      %swap3A_125 = arith.index_cast %scan3A_101 : i32 to index
      %swap3A_126 = arith.constant 32 : index
      %swap3A_127 = tpu.vector_load %arg11[%swap3A_125, %swap3A_126] {strides = array<i32>} : memref<128x128xf32, #tpu.memory_space<vmem>>, vector<16xf32>,
      tpu.vector_store %arg11[%swap3A_125, %swap3A_126], %mul3A_124 {strides = array<i32>} : memref<128x128xf32, #tpu.memory_space<vmem>>, vector<16xf32>,
      %get3A_128 = arith.index_cast %scan3A_101 : i32 to index
      %get3A_129 = arith.constant 48 : index
      %get3A_130 = tpu.vector_load %arg11[%get3A_128, %get3A_129] {strides = array<i32>} : memref<128x128xf32, #tpu.memory_space<vmem>>, vector<16xf32>,
      %mul3A_131 = arith.mulf %get3A_130, %div3A_108 : vector<16xf32>
      %swap3A_132 = arith.index_cast %scan3A_101 : i32 to index
      %swap3A_133 = arith.constant 48 : index
      %swap3A_134 = tpu.vector_load %arg11[%swap3A_132, %swap3A_133] {strides = array<i32>} : memref<128x128xf32, #tpu.memory_space<vmem>>, vector<16xf32>,
      tpu.vector_store %arg11[%swap3A_132, %swap3A_133], %mul3A_131 {strides = array<i32>} : memref<128x128xf32, #tpu.memory_space<vmem>>, vector<16xf32>,
      %get3A_135 = arith.index_cast %scan3A_101 : i32 to index
      %get3A_136 = arith.constant 64 : index
      %get3A_137 = tpu.vector_load %arg11[%get3A_135, %get3A_136] {strides = array<i32>} : memref<128x128xf32, #tpu.memory_space<vmem>>, vector<16xf32>,
      %mul3A_138 = arith.mulf %get3A_137, %div3A_108 : vector<16xf32>
      %swap3A_139 = arith.index_cast %scan3A_101 : i32 to index
      %swap3A_140 = arith.constant 64 : index
      %swap3A_141 = tpu.vector_load %arg11[%swap3A_139, %swap3A_140] {strides = array<i32>} : memref<128x128xf32, #tpu.memory_space<vmem>>, vector<16xf32>,
      tpu.vector_store %arg11[%swap3A_139, %swap3A_140], %mul3A_138 {strides = array<i32>} : memref<128x128xf32, #tpu.memory_space<vmem>>, vector<16xf32>,
      %get3A_142 = arith.index_cast %scan3A_101 : i32 to index
      %get3A_143 = arith.constant 80 : index
      %get3A_144 = tpu.vector_load %arg11[%get3A_142, %get3A_143] {strides = array<i32>} : memref<128x128xf32, #tpu.memory_space<vmem>>, vector<16xf32>,
      %mul3A_145 = arith.mulf %get3A_144, %div3A_108 : vector<16xf32>
      %swap3A_146 = arith.index_cast %scan3A_101 : i32 to index
      %swap3A_147 = arith.constant 80 : index
      %swap3A_148 = tpu.vector_load %arg11[%swap3A_146, %swap3A_147] {strides = array<i32>} : memref<128x128xf32, #tpu.memory_space<vmem>>, vector<16xf32>,
      tpu.vector_store %arg11[%swap3A_146, %swap3A_147], %mul3A_145 {strides = array<i32>} : memref<128x128xf32, #tpu.memory_space<vmem>>, vector<16xf32>,
      %get3A_149 = arith.index_cast %scan3A_101 : i32 to index
      %get3A_150 = arith.constant 96 : index
      %get3A_151 = tpu.vector_load %arg11[%get3A_149, %get3A_150] {strides = array<i32>} : memref<128x128xf32, #tpu.memory_space<vmem>>, vector<16xf32>,
      %mul3A_152 = arith.mulf %get3A_151, %div3A_108 : vector<16xf32>
      %swap3A_153 = arith.index_cast %scan3A_101 : i32 to index
      %swap3A_154 = arith.constant 96 : index
      %swap3A_155 = tpu.vector_load %arg11[%swap3A_153, %swap3A_154] {strides = array<i32>} : memref<128x128xf32, #tpu.memory_space<vmem>>, vector<16xf32>,
      tpu.vector_store %arg11[%swap3A_153, %swap3A_154], %mul3A_152 {strides = array<i32>} : memref<128x128xf32, #tpu.memory_space<vmem>>, vector<16xf32>,
      %get3A_156 = arith.index_cast %scan3A_101 : i32 to index
      %get3A_157 = arith.constant 112 : index
      %get3A_158 = tpu.vector_load %arg11[%get3A_156, %get3A_157] {strides = array<i32>} : memref<128x128xf32, #tpu.memory_space<vmem>>, vector<16xf32>,
      %mul3A_159 = arith.mulf %get3A_158, %div3A_108 : vector<16xf32>
      %swap3A_160 = arith.index_cast %scan3A_101 : i32 to index
      %swap3A_161 = arith.constant 112 : index
      %swap3A_162 = tpu.vector_load %arg11[%swap3A_160, %swap3A_161] {strides = array<i32>} : memref<128x128xf32, #tpu.memory_space<vmem>>, vector<16xf32>,
      tpu.vector_store %arg11[%swap3A_160, %swap3A_161], %mul3A_159 {strides = array<i32>} : memref<128x128xf32, #tpu.memory_space<vmem>>, vector<16xf32>,
    }
    %scan3A_80 = arith.constant 128 : i32
    "tpu.region"() ({
      %run_scoped3A = tpu.sem_alloc : memref<!tpu.dma_semaphore, #tpu.memory_space<semaphore_mem>>
      %dma_start3A = arith.constant 0 : i32
      %dma_start3A_101 = tpu.memref_slice %arg8[%arg0, %add3A_74, %dma_start3A] : memref<2x10240x128xf32, #tpu.memory_space<hbm>> -> memref<1x128x128xf32, #tpu.memory_space<hbm>>
      %dma_start3A_102 = tpu.memref_squeeze %dma_start3A_101 : memref<1x128x128xf32, #tpu.memory_space<hbm>> -> memref<128x128xf32, #tpu.memory_space<hbm>>
      %dma_start3A_103 = arith.constant 0 : i32
      %dma_start3A_104 = tpu.memref_slice %arg8[%arg0, %add3A_74, %dma_start3A_103] : memref<2x10240x128xf32, #tpu.memory_space<hbm>> -> memref<1x128x128xf32, #tpu.memory_space<hbm>>
      %dma_start3A_105 = tpu.memref_squeeze %dma_start3A_104 : memref<1x128x128xf32, #tpu.memory_space<hbm>> -> memref<128x128xf32, #tpu.memory_space<hbm>>
      tpu.enqueue_dma source(%arg11 : memref<128x128xf32, #tpu.memory_space<vmem>>) target(%dma_start3A_105 : memref<128x128xf32, #tpu.memory_space<hbm>>) target_semaphore(%run_scoped3A : memref<!tpu.dma_semaphore, #tpu.memory_space<semaphore_mem>>)
      %dma_wait3A = arith.constant 0 : i32
      %dma_wait3A_106 = tpu.memref_slice %arg8[%arg0, %add3A_74, %dma_wait3A] : memref<2x10240x128xf32, #tpu.memory_space<hbm>> -> memref<1x128x128xf32, #tpu.memory_space<hbm>>
      %dma_wait3A_107 = tpu.memref_squeeze %dma_wait3A_106 : memref<1x128x128xf32, #tpu.memory_space<hbm>> -> memref<128x128xf32, #tpu.memory_space<hbm>>
      %dma_wait3A_108 = arith.constant 0 : i32
      %dma_wait3A_109 = tpu.memref_slice %arg8[%arg0, %add3A_74, %dma_wait3A_108] : memref<2x10240x128xf32, #tpu.memory_space<hbm>> -> memref<1x128x128xf32, #tpu.memory_space<hbm>>
      %dma_wait3A_110 = tpu.memref_squeeze %dma_wait3A_109 : memref<1x128x128xf32, #tpu.memory_space<hbm>> -> memref<128x128xf32, #tpu.memory_space<hbm>>
      tpu.wait_dma2 semaphore(%run_scoped3A : memref<!tpu.dma_semaphore, #tpu.memory_space<semaphore_mem>>) src(%arg11 : memref<128x128xf32, #tpu.memory_space<vmem>>) dst(%dma_wait3A_110 : memref<128x128xf32, #tpu.memory_space<hbm>>)
      tpu.yield
    }) : () -> ()
    %mul3A_81 = arith.constant 640 : i32
    %mul3A_82 = arith.muli %arg1, %mul3A_81 : i32
    %add3A_83 = arith.constant 384 : i32
    %add3A_84 = arith.addi %mul3A_82, %add3A_83 : i32
    "tpu.region"() ({
      %run_scoped3A = tpu.sem_alloc : memref<!tpu.dma_semaphore, #tpu.memory_space<semaphore_mem>>
      %dma_start3A = arith.constant 0 : i32
      %dma_start3A_101 = tpu.memref_slice %arg9[%add3A_84, %dma_start3A] : memref<10240x128xf32, #tpu.memory_space<vmem_shared>> -> memref<128x128xf32, #tpu.memory_space<vmem_shared>>
      %dma_start3A_102 = arith.constant 0 : i32
      %dma_start3A_103 = tpu.memref_slice %arg9[%add3A_84, %dma_start3A_102] : memref<10240x128xf32, #tpu.memory_space<vmem_shared>> -> memref<128x128xf32, #tpu.memory_space<vmem_shared>>
      tpu.enqueue_dma source(%dma_start3A_103 : memref<128x128xf32, #tpu.memory_space<vmem_shared>>) target(%arg11 : memref<128x128xf32, #tpu.memory_space<vmem>>) target_semaphore(%run_scoped3A : memref<!tpu.dma_semaphore, #tpu.memory_space<semaphore_mem>>)
      %dma_wait3A = arith.constant 0 : i32
      %dma_wait3A_104 = tpu.memref_slice %arg9[%add3A_84, %dma_wait3A] : memref<10240x128xf32, #tpu.memory_space<vmem_shared>> -> memref<128x128xf32, #tpu.memory_space<vmem_shared>>
      %dma_wait3A_105 = arith.constant 0 : i32
      %dma_wait3A_106 = tpu.memref_slice %arg9[%add3A_84, %dma_wait3A_105] : memref<10240x128xf32, #tpu.memory_space<vmem_shared>> -> memref<128x128xf32, #tpu.memory_space<vmem_shared>>
      tpu.wait_dma2 semaphore(%run_scoped3A : memref<!tpu.dma_semaphore, #tpu.memory_space<semaphore_mem>>) src(%dma_wait3A_106 : memref<128x128xf32, #tpu.memory_space<vmem_shared>>) dst(%arg11 : memref<128x128xf32, #tpu.memory_space<vmem>>)
      tpu.yield
    }) : () -> ()
    %scan3A_85 = arith.constant 0 : i32
    %scan3A_86 = arith.constant 0 : i32
    %scan3A_87 = arith.constant 128 : i32
    %scan3A_88 = arith.addi %scan3A_86, %scan3A_87 : i32
    %scan3A_89 = arith.constant 1 : i32
    scf.for %scan3A_101 = %scan3A_86 to %scan3A_88 step %scan3A_89  : i32 {
      %add3A_102 = arith.constant 384 : i32
      %add3A_103 = arith.addi %add3A_102, %scan3A_101 : i32
      %broadcast_in_dim3A = vector.broadcast %add3A_103 : i32 to vector<16xi32>
      %gather3A = tpu.vector_load_idx %arg14[%broadcast_in_dim3A] : memref<640xf32, #tpu.memory_space<vmem>>[vector<16xi32>], vector<16xf32>,
      %add3A_104 = arith.constant 1.000000e-16 : f32
      %add3A_105 = vector.broadcast %add3A_104 : f32 to vector<16xf32>
      %add3A_106 = arith.addf %gather3A, %add3A_105 : vector<16xf32>
      %div3A = arith.constant 1.000000e+00 : f32
      %div3A_107 = vector.broadcast %div3A : f32 to vector<16xf32>
      %div3A_108 = arith.divf %div3A_107, %add3A_106 : vector<16xf32>
      %get3A = arith.index_cast %scan3A_101 : i32 to index
      %get3A_109 = arith.constant 0 : index
      %get3A_110 = tpu.vector_load %arg11[%get3A, %get3A_109] {strides = array<i32>} : memref<128x128xf32, #tpu.memory_space<vmem>>, vector<16xf32>,
      %mul3A_111 = arith.mulf %get3A_110, %div3A_108 : vector<16xf32>
      %swap3A = arith.index_cast %scan3A_101 : i32 to index
      %swap3A_112 = arith.constant 0 : index
      %swap3A_113 = tpu.vector_load %arg11[%swap3A, %swap3A_112] {strides = array<i32>} : memref<128x128xf32, #tpu.memory_space<vmem>>, vector<16xf32>,
      tpu.vector_store %arg11[%swap3A, %swap3A_112], %mul3A_111 {strides = array<i32>} : memref<128x128xf32, #tpu.memory_space<vmem>>, vector<16xf32>,
      %get3A_114 = arith.index_cast %scan3A_101 : i32 to index
      %get3A_115 = arith.constant 16 : index
      %get3A_116 = tpu.vector_load %arg11[%get3A_114, %get3A_115] {strides = array<i32>} : memref<128x128xf32, #tpu.memory_space<vmem>>, vector<16xf32>,
      %mul3A_117 = arith.mulf %get3A_116, %div3A_108 : vector<16xf32>
      %swap3A_118 = arith.index_cast %scan3A_101 : i32 to index
      %swap3A_119 = arith.constant 16 : index
      %swap3A_120 = tpu.vector_load %arg11[%swap3A_118, %swap3A_119] {strides = array<i32>} : memref<128x128xf32, #tpu.memory_space<vmem>>, vector<16xf32>,
      tpu.vector_store %arg11[%swap3A_118, %swap3A_119], %mul3A_117 {strides = array<i32>} : memref<128x128xf32, #tpu.memory_space<vmem>>, vector<16xf32>,
      %get3A_121 = arith.index_cast %scan3A_101 : i32 to index
      %get3A_122 = arith.constant 32 : index
      %get3A_123 = tpu.vector_load %arg11[%get3A_121, %get3A_122] {strides = array<i32>} : memref<128x128xf32, #tpu.memory_space<vmem>>, vector<16xf32>,
      %mul3A_124 = arith.mulf %get3A_123, %div3A_108 : vector<16xf32>
      %swap3A_125 = arith.index_cast %scan3A_101 : i32 to index
      %swap3A_126 = arith.constant 32 : index
      %swap3A_127 = tpu.vector_load %arg11[%swap3A_125, %swap3A_126] {strides = array<i32>} : memref<128x128xf32, #tpu.memory_space<vmem>>, vector<16xf32>,
      tpu.vector_store %arg11[%swap3A_125, %swap3A_126], %mul3A_124 {strides = array<i32>} : memref<128x128xf32, #tpu.memory_space<vmem>>, vector<16xf32>,
      %get3A_128 = arith.index_cast %scan3A_101 : i32 to index
      %get3A_129 = arith.constant 48 : index
      %get3A_130 = tpu.vector_load %arg11[%get3A_128, %get3A_129] {strides = array<i32>} : memref<128x128xf32, #tpu.memory_space<vmem>>, vector<16xf32>,
      %mul3A_131 = arith.mulf %get3A_130, %div3A_108 : vector<16xf32>
      %swap3A_132 = arith.index_cast %scan3A_101 : i32 to index
      %swap3A_133 = arith.constant 48 : index
      %swap3A_134 = tpu.vector_load %arg11[%swap3A_132, %swap3A_133] {strides = array<i32>} : memref<128x128xf32, #tpu.memory_space<vmem>>, vector<16xf32>,
      tpu.vector_store %arg11[%swap3A_132, %swap3A_133], %mul3A_131 {strides = array<i32>} : memref<128x128xf32, #tpu.memory_space<vmem>>, vector<16xf32>,
      %get3A_135 = arith.index_cast %scan3A_101 : i32 to index
      %get3A_136 = arith.constant 64 : index
      %get3A_137 = tpu.vector_load %arg11[%get3A_135, %get3A_136] {strides = array<i32>} : memref<128x128xf32, #tpu.memory_space<vmem>>, vector<16xf32>,
      %mul3A_138 = arith.mulf %get3A_137, %div3A_108 : vector<16xf32>
      %swap3A_139 = arith.index_cast %scan3A_101 : i32 to index
      %swap3A_140 = arith.constant 64 : index
      %swap3A_141 = tpu.vector_load %arg11[%swap3A_139, %swap3A_140] {strides = array<i32>} : memref<128x128xf32, #tpu.memory_space<vmem>>, vector<16xf32>,
      tpu.vector_store %arg11[%swap3A_139, %swap3A_140], %mul3A_138 {strides = array<i32>} : memref<128x128xf32, #tpu.memory_space<vmem>>, vector<16xf32>,
      %get3A_142 = arith.index_cast %scan3A_101 : i32 to index
      %get3A_143 = arith.constant 80 : index
      %get3A_144 = tpu.vector_load %arg11[%get3A_142, %get3A_143] {strides = array<i32>} : memref<128x128xf32, #tpu.memory_space<vmem>>, vector<16xf32>,
      %mul3A_145 = arith.mulf %get3A_144, %div3A_108 : vector<16xf32>
      %swap3A_146 = arith.index_cast %scan3A_101 : i32 to index
      %swap3A_147 = arith.constant 80 : index
      %swap3A_148 = tpu.vector_load %arg11[%swap3A_146, %swap3A_147] {strides = array<i32>} : memref<128x128xf32, #tpu.memory_space<vmem>>, vector<16xf32>,
      tpu.vector_store %arg11[%swap3A_146, %swap3A_147], %mul3A_145 {strides = array<i32>} : memref<128x128xf32, #tpu.memory_space<vmem>>, vector<16xf32>,
      %get3A_149 = arith.index_cast %scan3A_101 : i32 to index
      %get3A_150 = arith.constant 96 : index
      %get3A_151 = tpu.vector_load %arg11[%get3A_149, %get3A_150] {strides = array<i32>} : memref<128x128xf32, #tpu.memory_space<vmem>>, vector<16xf32>,
      %mul3A_152 = arith.mulf %get3A_151, %div3A_108 : vector<16xf32>
      %swap3A_153 = arith.index_cast %scan3A_101 : i32 to index
      %swap3A_154 = arith.constant 96 : index
      %swap3A_155 = tpu.vector_load %arg11[%swap3A_153, %swap3A_154] {strides = array<i32>} : memref<128x128xf32, #tpu.memory_space<vmem>>, vector<16xf32>,
      tpu.vector_store %arg11[%swap3A_153, %swap3A_154], %mul3A_152 {strides = array<i32>} : memref<128x128xf32, #tpu.memory_space<vmem>>, vector<16xf32>,
      %get3A_156 = arith.index_cast %scan3A_101 : i32 to index
      %get3A_157 = arith.constant 112 : index
      %get3A_158 = tpu.vector_load %arg11[%get3A_156, %get3A_157] {strides = array<i32>} : memref<128x128xf32, #tpu.memory_space<vmem>>, vector<16xf32>,
      %mul3A_159 = arith.mulf %get3A_158, %div3A_108 : vector<16xf32>
      %swap3A_160 = arith.index_cast %scan3A_101 : i32 to index
      %swap3A_161 = arith.constant 112 : index
      %swap3A_162 = tpu.vector_load %arg11[%swap3A_160, %swap3A_161] {strides = array<i32>} : memref<128x128xf32, #tpu.memory_space<vmem>>, vector<16xf32>,
      tpu.vector_store %arg11[%swap3A_160, %swap3A_161], %mul3A_159 {strides = array<i32>} : memref<128x128xf32, #tpu.memory_space<vmem>>, vector<16xf32>,
    }
    %scan3A_90 = arith.constant 128 : i32
    "tpu.region"() ({
      %run_scoped3A = tpu.sem_alloc : memref<!tpu.dma_semaphore, #tpu.memory_space<semaphore_mem>>
      %dma_start3A = arith.constant 0 : i32
      %dma_start3A_101 = tpu.memref_slice %arg8[%arg0, %add3A_84, %dma_start3A] : memref<2x10240x128xf32, #tpu.memory_space<hbm>> -> memref<1x128x128xf32, #tpu.memory_space<hbm>>
      %dma_start3A_102 = tpu.memref_squeeze %dma_start3A_101 : memref<1x128x128xf32, #tpu.memory_space<hbm>> -> memref<128x128xf32, #tpu.memory_space<hbm>>
      %dma_start3A_103 = arith.constant 0 : i32
      %dma_start3A_104 = tpu.memref_slice %arg8[%arg0, %add3A_84, %dma_start3A_103] : memref<2x10240x128xf32, #tpu.memory_space<hbm>> -> memref<1x128x128xf32, #tpu.memory_space<hbm>>
      %dma_start3A_105 = tpu.memref_squeeze %dma_start3A_104 : memref<1x128x128xf32, #tpu.memory_space<hbm>> -> memref<128x128xf32, #tpu.memory_space<hbm>>
      tpu.enqueue_dma source(%arg11 : memref<128x128xf32, #tpu.memory_space<vmem>>) target(%dma_start3A_105 : memref<128x128xf32, #tpu.memory_space<hbm>>) target_semaphore(%run_scoped3A : memref<!tpu.dma_semaphore, #tpu.memory_space<semaphore_mem>>)
      %dma_wait3A = arith.constant 0 : i32
      %dma_wait3A_106 = tpu.memref_slice %arg8[%arg0, %add3A_84, %dma_wait3A] : memref<2x10240x128xf32, #tpu.memory_space<hbm>> -> memref<1x128x128xf32, #tpu.memory_space<hbm>>
      %dma_wait3A_107 = tpu.memref_squeeze %dma_wait3A_106 : memref<1x128x128xf32, #tpu.memory_space<hbm>> -> memref<128x128xf32, #tpu.memory_space<hbm>>
      %dma_wait3A_108 = arith.constant 0 : i32
      %dma_wait3A_109 = tpu.memref_slice %arg8[%arg0, %add3A_84, %dma_wait3A_108] : memref<2x10240x128xf32, #tpu.memory_space<hbm>> -> memref<1x128x128xf32, #tpu.memory_space<hbm>>
      %dma_wait3A_110 = tpu.memref_squeeze %dma_wait3A_109 : memref<1x128x128xf32, #tpu.memory_space<hbm>> -> memref<128x128xf32, #tpu.memory_space<hbm>>
      tpu.wait_dma2 semaphore(%run_scoped3A : memref<!tpu.dma_semaphore, #tpu.memory_space<semaphore_mem>>) src(%arg11 : memref<128x128xf32, #tpu.memory_space<vmem>>) dst(%dma_wait3A_110 : memref<128x128xf32, #tpu.memory_space<hbm>>)
      tpu.yield
    }) : () -> ()
    %mul3A_91 = arith.constant 640 : i32
    %mul3A_92 = arith.muli %arg1, %mul3A_91 : i32
    %add3A_93 = arith.constant 512 : i32
    %add3A_94 = arith.addi %mul3A_92, %add3A_93 : i32
    "tpu.region"() ({
      %run_scoped3A = tpu.sem_alloc : memref<!tpu.dma_semaphore, #tpu.memory_space<semaphore_mem>>
      %dma_start3A = arith.constant 0 : i32
      %dma_start3A_101 = tpu.memref_slice %arg9[%add3A_94, %dma_start3A] : memref<10240x128xf32, #tpu.memory_space<vmem_shared>> -> memref<128x128xf32, #tpu.memory_space<vmem_shared>>
      %dma_start3A_102 = arith.constant 0 : i32
      %dma_start3A_103 = tpu.memref_slice %arg9[%add3A_94, %dma_start3A_102] : memref<10240x128xf32, #tpu.memory_space<vmem_shared>> -> memref<128x128xf32, #tpu.memory_space<vmem_shared>>
      tpu.enqueue_dma source(%dma_start3A_103 : memref<128x128xf32, #tpu.memory_space<vmem_shared>>) target(%arg11 : memref<128x128xf32, #tpu.memory_space<vmem>>) target_semaphore(%run_scoped3A : memref<!tpu.dma_semaphore, #tpu.memory_space<semaphore_mem>>)
      %dma_wait3A = arith.constant 0 : i32
      %dma_wait3A_104 = tpu.memref_slice %arg9[%add3A_94, %dma_wait3A] : memref<10240x128xf32, #tpu.memory_space<vmem_shared>> -> memref<128x128xf32, #tpu.memory_space<vmem_shared>>
      %dma_wait3A_105 = arith.constant 0 : i32
      %dma_wait3A_106 = tpu.memref_slice %arg9[%add3A_94, %dma_wait3A_105] : memref<10240x128xf32, #tpu.memory_space<vmem_shared>> -> memref<128x128xf32, #tpu.memory_space<vmem_shared>>
      tpu.wait_dma2 semaphore(%run_scoped3A : memref<!tpu.dma_semaphore, #tpu.memory_space<semaphore_mem>>) src(%dma_wait3A_106 : memref<128x128xf32, #tpu.memory_space<vmem_shared>>) dst(%arg11 : memref<128x128xf32, #tpu.memory_space<vmem>>)
      tpu.yield
    }) : () -> ()
    %scan3A_95 = arith.constant 0 : i32
    %scan3A_96 = arith.constant 0 : i32
    %scan3A_97 = arith.constant 128 : i32
    %scan3A_98 = arith.addi %scan3A_96, %scan3A_97 : i32
    %scan3A_99 = arith.constant 1 : i32
    scf.for %scan3A_101 = %scan3A_96 to %scan3A_98 step %scan3A_99  : i32 {
      %add3A_102 = arith.constant 512 : i32
      %add3A_103 = arith.addi %add3A_102, %scan3A_101 : i32
      %broadcast_in_dim3A = vector.broadcast %add3A_103 : i32 to vector<16xi32>
      %gather3A = tpu.vector_load_idx %arg14[%broadcast_in_dim3A] : memref<640xf32, #tpu.memory_space<vmem>>[vector<16xi32>], vector<16xf32>,
      %add3A_104 = arith.constant 1.000000e-16 : f32
      %add3A_105 = vector.broadcast %add3A_104 : f32 to vector<16xf32>
      %add3A_106 = arith.addf %gather3A, %add3A_105 : vector<16xf32>
      %div3A = arith.constant 1.000000e+00 : f32
      %div3A_107 = vector.broadcast %div3A : f32 to vector<16xf32>
      %div3A_108 = arith.divf %div3A_107, %add3A_106 : vector<16xf32>
      %get3A = arith.index_cast %scan3A_101 : i32 to index
      %get3A_109 = arith.constant 0 : index
      %get3A_110 = tpu.vector_load %arg11[%get3A, %get3A_109] {strides = array<i32>} : memref<128x128xf32, #tpu.memory_space<vmem>>, vector<16xf32>,
      %mul3A_111 = arith.mulf %get3A_110, %div3A_108 : vector<16xf32>
      %swap3A = arith.index_cast %scan3A_101 : i32 to index
      %swap3A_112 = arith.constant 0 : index
      %swap3A_113 = tpu.vector_load %arg11[%swap3A, %swap3A_112] {strides = array<i32>} : memref<128x128xf32, #tpu.memory_space<vmem>>, vector<16xf32>,
      tpu.vector_store %arg11[%swap3A, %swap3A_112], %mul3A_111 {strides = array<i32>} : memref<128x128xf32, #tpu.memory_space<vmem>>, vector<16xf32>,
      %get3A_114 = arith.index_cast %scan3A_101 : i32 to index
      %get3A_115 = arith.constant 16 : index
      %get3A_116 = tpu.vector_load %arg11[%get3A_114, %get3A_115] {strides = array<i32>} : memref<128x128xf32, #tpu.memory_space<vmem>>, vector<16xf32>,
      %mul3A_117 = arith.mulf %get3A_116, %div3A_108 : vector<16xf32>
      %swap3A_118 = arith.index_cast %scan3A_101 : i32 to index
      %swap3A_119 = arith.constant 16 : index
      %swap3A_120 = tpu.vector_load %arg11[%swap3A_118, %swap3A_119] {strides = array<i32>} : memref<128x128xf32, #tpu.memory_space<vmem>>, vector<16xf32>,
      tpu.vector_store %arg11[%swap3A_118, %swap3A_119], %mul3A_117 {strides = array<i32>} : memref<128x128xf32, #tpu.memory_space<vmem>>, vector<16xf32>,
      %get3A_121 = arith.index_cast %scan3A_101 : i32 to index
      %get3A_122 = arith.constant 32 : index
      %get3A_123 = tpu.vector_load %arg11[%get3A_121, %get3A_122] {strides = array<i32>} : memref<128x128xf32, #tpu.memory_space<vmem>>, vector<16xf32>,
      %mul3A_124 = arith.mulf %get3A_123, %div3A_108 : vector<16xf32>
      %swap3A_125 = arith.index_cast %scan3A_101 : i32 to index
      %swap3A_126 = arith.constant 32 : index
      %swap3A_127 = tpu.vector_load %arg11[%swap3A_125, %swap3A_126] {strides = array<i32>} : memref<128x128xf32, #tpu.memory_space<vmem>>, vector<16xf32>,
      tpu.vector_store %arg11[%swap3A_125, %swap3A_126], %mul3A_124 {strides = array<i32>} : memref<128x128xf32, #tpu.memory_space<vmem>>, vector<16xf32>,
      %get3A_128 = arith.index_cast %scan3A_101 : i32 to index
      %get3A_129 = arith.constant 48 : index
      %get3A_130 = tpu.vector_load %arg11[%get3A_128, %get3A_129] {strides = array<i32>} : memref<128x128xf32, #tpu.memory_space<vmem>>, vector<16xf32>,
      %mul3A_131 = arith.mulf %get3A_130, %div3A_108 : vector<16xf32>
      %swap3A_132 = arith.index_cast %scan3A_101 : i32 to index
      %swap3A_133 = arith.constant 48 : index
      %swap3A_134 = tpu.vector_load %arg11[%swap3A_132, %swap3A_133] {strides = array<i32>} : memref<128x128xf32, #tpu.memory_space<vmem>>, vector<16xf32>,
      tpu.vector_store %arg11[%swap3A_132, %swap3A_133], %mul3A_131 {strides = array<i32>} : memref<128x128xf32, #tpu.memory_space<vmem>>, vector<16xf32>,
      %get3A_135 = arith.index_cast %scan3A_101 : i32 to index
      %get3A_136 = arith.constant 64 : index
      %get3A_137 = tpu.vector_load %arg11[%get3A_135, %get3A_136] {strides = array<i32>} : memref<128x128xf32, #tpu.memory_space<vmem>>, vector<16xf32>,
      %mul3A_138 = arith.mulf %get3A_137, %div3A_108 : vector<16xf32>
      %swap3A_139 = arith.index_cast %scan3A_101 : i32 to index
      %swap3A_140 = arith.constant 64 : index
      %swap3A_141 = tpu.vector_load %arg11[%swap3A_139, %swap3A_140] {strides = array<i32>} : memref<128x128xf32, #tpu.memory_space<vmem>>, vector<16xf32>,
      tpu.vector_store %arg11[%swap3A_139, %swap3A_140], %mul3A_138 {strides = array<i32>} : memref<128x128xf32, #tpu.memory_space<vmem>>, vector<16xf32>,
      %get3A_142 = arith.index_cast %scan3A_101 : i32 to index
      %get3A_143 = arith.constant 80 : index
      %get3A_144 = tpu.vector_load %arg11[%get3A_142, %get3A_143] {strides = array<i32>} : memref<128x128xf32, #tpu.memory_space<vmem>>, vector<16xf32>,
      %mul3A_145 = arith.mulf %get3A_144, %div3A_108 : vector<16xf32>
      %swap3A_146 = arith.index_cast %scan3A_101 : i32 to index
      %swap3A_147 = arith.constant 80 : index
      %swap3A_148 = tpu.vector_load %arg11[%swap3A_146, %swap3A_147] {strides = array<i32>} : memref<128x128xf32, #tpu.memory_space<vmem>>, vector<16xf32>,
      tpu.vector_store %arg11[%swap3A_146, %swap3A_147], %mul3A_145 {strides = array<i32>} : memref<128x128xf32, #tpu.memory_space<vmem>>, vector<16xf32>,
      %get3A_149 = arith.index_cast %scan3A_101 : i32 to index
      %get3A_150 = arith.constant 96 : index
      %get3A_151 = tpu.vector_load %arg11[%get3A_149, %get3A_150] {strides = array<i32>} : memref<128x128xf32, #tpu.memory_space<vmem>>, vector<16xf32>,
      %mul3A_152 = arith.mulf %get3A_151, %div3A_108 : vector<16xf32>
      %swap3A_153 = arith.index_cast %scan3A_101 : i32 to index
      %swap3A_154 = arith.constant 96 : index
      %swap3A_155 = tpu.vector_load %arg11[%swap3A_153, %swap3A_154] {strides = array<i32>} : memref<128x128xf32, #tpu.memory_space<vmem>>, vector<16xf32>,
      tpu.vector_store %arg11[%swap3A_153, %swap3A_154], %mul3A_152 {strides = array<i32>} : memref<128x128xf32, #tpu.memory_space<vmem>>, vector<16xf32>,
      %get3A_156 = arith.index_cast %scan3A_101 : i32 to index
      %get3A_157 = arith.constant 112 : index
      %get3A_158 = tpu.vector_load %arg11[%get3A_156, %get3A_157] {strides = array<i32>} : memref<128x128xf32, #tpu.memory_space<vmem>>, vector<16xf32>,
      %mul3A_159 = arith.mulf %get3A_158, %div3A_108 : vector<16xf32>
      %swap3A_160 = arith.index_cast %scan3A_101 : i32 to index
      %swap3A_161 = arith.constant 112 : index
      %swap3A_162 = tpu.vector_load %arg11[%swap3A_160, %swap3A_161] {strides = array<i32>} : memref<128x128xf32, #tpu.memory_space<vmem>>, vector<16xf32>,
      tpu.vector_store %arg11[%swap3A_160, %swap3A_161], %mul3A_159 {strides = array<i32>} : memref<128x128xf32, #tpu.memory_space<vmem>>, vector<16xf32>,
    }
    %scan3A_100 = arith.constant 128 : i32
    "tpu.region"() ({
      %run_scoped3A = tpu.sem_alloc : memref<!tpu.dma_semaphore, #tpu.memory_space<semaphore_mem>>
      %dma_start3A = arith.constant 0 : i32
      %dma_start3A_101 = tpu.memref_slice %arg8[%arg0, %add3A_94, %dma_start3A] : memref<2x10240x128xf32, #tpu.memory_space<hbm>> -> memref<1x128x128xf32, #tpu.memory_space<hbm>>
      %dma_start3A_102 = tpu.memref_squeeze %dma_start3A_101 : memref<1x128x128xf32, #tpu.memory_space<hbm>> -> memref<128x128xf32, #tpu.memory_space<hbm>>
      %dma_start3A_103 = arith.constant 0 : i32
      %dma_start3A_104 = tpu.memref_slice %arg8[%arg0, %add3A_94, %dma_start3A_103] : memref<2x10240x128xf32, #tpu.memory_space<hbm>> -> memref<1x128x128xf32, #tpu.memory_space<hbm>>
      %dma_start3A_105 = tpu.memref_squeeze %dma_start3A_104 : memref<1x128x128xf32, #tpu.memory_space<hbm>> -> memref<128x128xf32, #tpu.memory_space<hbm>>
      tpu.enqueue_dma source(%arg11 : memref<128x128xf32, #tpu.memory_space<vmem>>) target(%dma_start3A_105 : memref<128x128xf32, #tpu.memory_space<hbm>>) target_semaphore(%run_scoped3A : memref<!tpu.dma_semaphore, #tpu.memory_space<semaphore_mem>>)
      %dma_wait3A = arith.constant 0 : i32
      %dma_wait3A_106 = tpu.memref_slice %arg8[%arg0, %add3A_94, %dma_wait3A] : memref<2x10240x128xf32, #tpu.memory_space<hbm>> -> memref<1x128x128xf32, #tpu.memory_space<hbm>>
      %dma_wait3A_107 = tpu.memref_squeeze %dma_wait3A_106 : memref<1x128x128xf32, #tpu.memory_space<hbm>> -> memref<128x128xf32, #tpu.memory_space<hbm>>
      %dma_wait3A_108 = arith.constant 0 : i32
      %dma_wait3A_109 = tpu.memref_slice %arg8[%arg0, %add3A_94, %dma_wait3A_108] : memref<2x10240x128xf32, #tpu.memory_space<hbm>> -> memref<1x128x128xf32, #tpu.memory_space<hbm>>
      %dma_wait3A_110 = tpu.memref_squeeze %dma_wait3A_109 : memref<1x128x128xf32, #tpu.memory_space<hbm>> -> memref<128x128xf32, #tpu.memory_space<hbm>>
      tpu.wait_dma2 semaphore(%run_scoped3A : memref<!tpu.dma_semaphore, #tpu.memory_space<semaphore_mem>>) src(%arg11 : memref<128x128xf32, #tpu.memory_space<vmem>>) dst(%dma_wait3A_110 : memref<128x128xf32, #tpu.memory_space<hbm>>)
      tpu.yield
    }) : () -> ()
    return
  }
}

module attributes {stable_mosaic.version = 14 : i64} {
  func.func @_pre_body(%arg0: i32, %arg1: memref<1000x128xf32, #tpu.memory_space<vmem>>, %arg2: memref<128x128xf32, #tpu.memory_space<vmem>>, %arg3: memref<128x128xf32, #tpu.memory_space<vmem>>, %arg4: memref<128x128xf32, #tpu.memory_space<vmem>>, %arg5: memref<128x8xf32, #tpu.memory_space<vmem>>, %arg6: memref<1000x128xf32, #tpu.memory_space<vmem>>, %arg7: memref<1000x128xf32, #tpu.memory_space<vmem>>, %arg8: memref<1000x128xf32, #tpu.memory_space<vmem>>, %arg9: memref<1000x8xf32, #tpu.memory_space<vmem>>) attributes {dimension_semantics = [#tpu.dimension_semantics<arbitrary>], iteration_bounds = array<i64: 10>, scalar_prefetch = 0 : i64, scratch_operands = 0 : i64, tpu.core_type = #tpu.core_type<tc>, window_params = [{transform_indices = @transform_0, window_bounds = array<i64: 1000, 128>}, {pipeline_mode = #tpu.pipeline_mode<synchronous>, transform_indices = @transform_1, window_bounds = array<i64: 128, 128>}, {pipeline_mode = #tpu.pipeline_mode<synchronous>, transform_indices = @transform_2, window_bounds = array<i64: 128, 128>}, {pipeline_mode = #tpu.pipeline_mode<synchronous>, transform_indices = @transform_3, window_bounds = array<i64: 128, 128>}, {pipeline_mode = #tpu.pipeline_mode<synchronous>, transform_indices = @transform_4, window_bounds = array<i64: 128, 8>}, {transform_indices = @transform_5, window_bounds = array<i64: 1000, 128>}, {transform_indices = @transform_6, window_bounds = array<i64: 1000, 128>}, {transform_indices = @transform_7, window_bounds = array<i64: 1000, 128>}, {transform_indices = @transform_8, window_bounds = array<i64: 1000, 8>}]} {
    %get3A = arith.constant 0 : index
    %get3A_0 = arith.constant 0 : index
    %get3A_1 = vector.load %arg1[%get3A, %get3A_0] : memref<1000x128xf32, #tpu.memory_space<vmem>>, vector<1000x128xf32>
    %get3A_2 = arith.constant 0 : index
    %get3A_3 = arith.constant 0 : index
    %get3A_4 = vector.load %arg2[%get3A_2, %get3A_3] : memref<128x128xf32, #tpu.memory_space<vmem>>, vector<128x128xf32>
    %dot_general3A = arith.constant dense<0.000000e+00> : vector<1000x128xf32>
    %dot_general3A_5 = tpu.matmul %get3A_1, %get3A_4, %dot_general3A {dimension_numbers = #tpu.dot_dimension_numbers<[1], [0], [0], [1], [0, 0, 1, 1], [], []>, transpose_lhs_hint = false} : vector<1000x128xf32>, vector<128x128xf32>, vector<1000x128xf32> -> vector<1000x128xf32>
    %get3A_6 = arith.constant 0 : index
    %get3A_7 = arith.constant 0 : index
    %get3A_8 = vector.load %arg3[%get3A_6, %get3A_7] : memref<128x128xf32, #tpu.memory_space<vmem>>, vector<128x128xf32>
    %dot_general3A_9 = arith.constant dense<0.000000e+00> : vector<1000x128xf32>
    %dot_general3A_10 = tpu.matmul %get3A_1, %get3A_8, %dot_general3A_9 {dimension_numbers = #tpu.dot_dimension_numbers<[1], [0], [0], [1], [0, 0, 1, 1], [], []>, transpose_lhs_hint = false} : vector<1000x128xf32>, vector<128x128xf32>, vector<1000x128xf32> -> vector<1000x128xf32>
    %get3A_11 = arith.constant 0 : index
    %get3A_12 = arith.constant 0 : index
    %get3A_13 = vector.load %arg4[%get3A_11, %get3A_12] : memref<128x128xf32, #tpu.memory_space<vmem>>, vector<128x128xf32>
    %dot_general3A_14 = arith.constant dense<0.000000e+00> : vector<1000x128xf32>
    %dot_general3A_15 = tpu.matmul %get3A_1, %get3A_13, %dot_general3A_14 {dimension_numbers = #tpu.dot_dimension_numbers<[1], [0], [0], [1], [0, 0, 1, 1], [], []>, transpose_lhs_hint = false} : vector<1000x128xf32>, vector<128x128xf32>, vector<1000x128xf32> -> vector<1000x128xf32>
    %swap3A = arith.constant 0 : index
    %swap3A_16 = arith.constant 0 : index
    %swap3A_17 = vector.load %arg6[%swap3A, %swap3A_16] : memref<1000x128xf32, #tpu.memory_space<vmem>>, vector<1000x128xf32>
    tpu.vector_store %arg6[%swap3A, %swap3A_16], %dot_general3A_5 {strides = array<i32>} : memref<1000x128xf32, #tpu.memory_space<vmem>>, vector<1000x128xf32>,
    %swap3A_18 = arith.constant 0 : index
    %swap3A_19 = arith.constant 0 : index
    %swap3A_20 = vector.load %arg7[%swap3A_18, %swap3A_19] : memref<1000x128xf32, #tpu.memory_space<vmem>>, vector<1000x128xf32>
    tpu.vector_store %arg7[%swap3A_18, %swap3A_19], %dot_general3A_10 {strides = array<i32>} : memref<1000x128xf32, #tpu.memory_space<vmem>>, vector<1000x128xf32>,
    %swap3A_21 = arith.constant 0 : index
    %swap3A_22 = arith.constant 0 : index
    %swap3A_23 = vector.load %arg8[%swap3A_21, %swap3A_22] : memref<1000x128xf32, #tpu.memory_space<vmem>>, vector<1000x128xf32>
    tpu.vector_store %arg8[%swap3A_21, %swap3A_22], %dot_general3A_15 {strides = array<i32>} : memref<1000x128xf32, #tpu.memory_space<vmem>>, vector<1000x128xf32>,
    %get3A_24 = arith.constant 0 : index
    %get3A_25 = arith.constant 0 : index
    %get3A_26 = vector.load %arg5[%get3A_24, %get3A_25] : memref<128x8xf32, #tpu.memory_space<vmem>>, vector<128x8xf32>
    %slice3A = vector.extract_strided_slice %get3A_26 {offsets = [0, 0], sizes = [128, 2], strides = [1, 1]} : vector<128x8xf32> to vector<128x2xf32>
    %dot_general3A_27 = arith.constant dense<0.000000e+00> : vector<1000x2xf32>
    %dot_general3A_28 = tpu.matmul %dot_general3A_5, %slice3A, %dot_general3A_27 {dimension_numbers = #tpu.dot_dimension_numbers<[1], [0], [0], [1], [0, 0, 1, 1], [], []>, transpose_lhs_hint = false} : vector<1000x128xf32>, vector<128x2xf32>, vector<1000x2xf32> -> vector<1000x2xf32>
    %slice3A_29 = vector.extract_strided_slice %get3A_26 {offsets = [0, 2], sizes = [128, 2], strides = [1, 1]} : vector<128x8xf32> to vector<128x2xf32>
    %dot_general3A_30 = arith.constant dense<0.000000e+00> : vector<1000x2xf32>
    %dot_general3A_31 = tpu.matmul %dot_general3A_10, %slice3A_29, %dot_general3A_30 {dimension_numbers = #tpu.dot_dimension_numbers<[1], [0], [0], [1], [0, 0, 1, 1], [], []>, transpose_lhs_hint = false} : vector<1000x128xf32>, vector<128x2xf32>, vector<1000x2xf32> -> vector<1000x2xf32>
    %broadcast_in_dim3A = arith.constant 0.000000e+00 : f32
    %broadcast_in_dim3A_32 = vector.broadcast %broadcast_in_dim3A : f32 to vector<1000x2xf32>
    %concatenate3A = tpu.concatenate %dot_general3A_28, %dot_general3A_31, %broadcast_in_dim3A_32, %broadcast_in_dim3A_32 in 1 : vector<1000x2xf32>, vector<1000x2xf32>, vector<1000x2xf32>, vector<1000x2xf32> -> vector<1000x8xf32>
    %swap3A_33 = arith.constant 0 : index
    %swap3A_34 = arith.constant 0 : index
    %swap3A_35 = vector.load %arg9[%swap3A_33, %swap3A_34] : memref<1000x8xf32, #tpu.memory_space<vmem>>, vector<1000x8xf32>
    tpu.vector_store %arg9[%swap3A_33, %swap3A_34], %concatenate3A {strides = array<i32>} : memref<1000x8xf32, #tpu.memory_space<vmem>>, vector<1000x8xf32>,
    return
  }
  func.func @transform_0(%arg0: i32) -> (i32, i32) {
    %c0_i32 = arith.constant 0 : i32
    %c0_i32_0 = arith.constant 0 : i32
    return %arg0, %c0_i32 : i32, i32
  }
  func.func @transform_1(%arg0: i32) -> (i32, i32) {
    %c0_i32 = arith.constant 0 : i32
    %c0_i32_0 = arith.constant 0 : i32
    %c0_i32_1 = arith.constant 0 : i32
    return %c0_i32, %c0_i32_0 : i32, i32
  }
  func.func @transform_2(%arg0: i32) -> (i32, i32) {
    %c0_i32 = arith.constant 0 : i32
    %c0_i32_0 = arith.constant 0 : i32
    %c0_i32_1 = arith.constant 0 : i32
    return %c0_i32, %c0_i32_0 : i32, i32
  }
  func.func @transform_3(%arg0: i32) -> (i32, i32) {
    %c0_i32 = arith.constant 0 : i32
    %c0_i32_0 = arith.constant 0 : i32
    %c0_i32_1 = arith.constant 0 : i32
    return %c0_i32, %c0_i32_0 : i32, i32
  }
  func.func @transform_4(%arg0: i32) -> (i32, i32) {
    %c0_i32 = arith.constant 0 : i32
    %c0_i32_0 = arith.constant 0 : i32
    %c0_i32_1 = arith.constant 0 : i32
    return %c0_i32, %c0_i32_0 : i32, i32
  }
  func.func @transform_5(%arg0: i32) -> (i32, i32) {
    %c0_i32 = arith.constant 0 : i32
    %c0_i32_0 = arith.constant 0 : i32
    return %arg0, %c0_i32 : i32, i32
  }
  func.func @transform_6(%arg0: i32) -> (i32, i32) {
    %c0_i32 = arith.constant 0 : i32
    %c0_i32_0 = arith.constant 0 : i32
    return %arg0, %c0_i32 : i32, i32
  }
  func.func @transform_7(%arg0: i32) -> (i32, i32) {
    %c0_i32 = arith.constant 0 : i32
    %c0_i32_0 = arith.constant 0 : i32
    return %arg0, %c0_i32 : i32, i32
  }
  func.func @transform_8(%arg0: i32) -> (i32, i32) {
    %c0_i32 = arith.constant 0 : i32
    %c0_i32_0 = arith.constant 0 : i32
    return %arg0, %c0_i32 : i32, i32
  }
}

module attributes {stable_mosaic.version = 14 : i64} {
  func.func @_post_body(%arg0: i32, %arg1: memref<1x1000x128xf32, #tpu.memory_space<vmem>>, %arg2: memref<1x1000x128xf32, #tpu.memory_space<vmem>>, %arg3: memref<1000x128xf32, #tpu.memory_space<vmem>>, %arg4: memref<1000x128xf32, #tpu.memory_space<vmem>>, %arg5: memref<128x8xf32, #tpu.memory_space<vmem>>, %arg6: memref<1000x128xf32, #tpu.memory_space<vmem>>) attributes {dimension_semantics = [#tpu.dimension_semantics<arbitrary>], iteration_bounds = array<i64: 10>, scalar_prefetch = 0 : i64, scratch_operands = 0 : i64, tpu.core_type = #tpu.core_type<tc>, window_params = [{transform_indices = @transform_0, window_bounds = array<i64: 1, 1000, 128>}, {transform_indices = @transform_1, window_bounds = array<i64: 1, 1000, 128>}, {transform_indices = @transform_2, window_bounds = array<i64: 1000, 128>}, {transform_indices = @transform_3, window_bounds = array<i64: 1000, 128>}, {pipeline_mode = #tpu.pipeline_mode<synchronous>, transform_indices = @transform_4, window_bounds = array<i64: 128, 8>}, {transform_indices = @transform_5, window_bounds = array<i64: 1000, 128>}]} {
    %get3A = arith.constant 0 : index
    %get3A_0 = arith.constant 0 : index
    %get3A_1 = arith.constant 0 : index
    %get3A_2 = vector.load %arg1[%get3A, %get3A_0, %get3A_1] : memref<1x1000x128xf32, #tpu.memory_space<vmem>>, vector<1x1000x128xf32>
    %get3A_3 = vector.shape_cast %get3A_2 : vector<1x1000x128xf32> to vector<1000x128xf32>
    %max3A = arith.constant 0.000000e+00 : f32
    %max3A_4 = vector.broadcast %max3A : f32 to vector<1000x128xf32>
    %max3A_5 = arith.maximumf %get3A_3, %max3A_4 : vector<1000x128xf32>
    %get3A_6 = arith.constant 0 : index
    %get3A_7 = arith.constant 0 : index
    %get3A_8 = vector.load %arg3[%get3A_6, %get3A_7] : memref<1000x128xf32, #tpu.memory_space<vmem>>, vector<1000x128xf32>
    %get3A_9 = arith.constant 0 : index
    %get3A_10 = arith.constant 0 : index
    %get3A_11 = arith.constant 0 : index
    %get3A_12 = vector.load %arg2[%get3A_9, %get3A_10, %get3A_11] : memref<1x1000x128xf32, #tpu.memory_space<vmem>>, vector<1x1000x128xf32>
    %get3A_13 = vector.shape_cast %get3A_12 : vector<1x1000x128xf32> to vector<1000x128xf32>
    %sub3A = arith.subf %get3A_8, %get3A_13 : vector<1000x128xf32>
    %max3A_14 = arith.constant 0.000000e+00 : f32
    %max3A_15 = vector.broadcast %max3A_14 : f32 to vector<1000x128xf32>
    %max3A_16 = arith.maximumf %sub3A, %max3A_15 : vector<1000x128xf32>
    %get3A_17 = arith.constant 0 : index
    %get3A_18 = arith.constant 0 : index
    %get3A_19 = vector.load %arg4[%get3A_17, %get3A_18] : memref<1000x128xf32, #tpu.memory_space<vmem>>, vector<1000x128xf32>
    %max3A_20 = arith.constant 0.000000e+00 : f32
    %max3A_21 = vector.broadcast %max3A_20 : f32 to vector<1000x128xf32>
    %max3A_22 = arith.maximumf %get3A_19, %max3A_21 : vector<1000x128xf32>
    %get3A_23 = arith.constant 0 : index
    %get3A_24 = arith.constant 0 : index
    %get3A_25 = vector.load %arg5[%get3A_23, %get3A_24] : memref<128x8xf32, #tpu.memory_space<vmem>>, vector<128x8xf32>
    %slice3A = vector.extract_strided_slice %get3A_25 {offsets = [0, 0], sizes = [128, 1], strides = [1, 1]} : vector<128x8xf32> to vector<128x1xf32>
    %dot_general3A = arith.constant dense<0.000000e+00> : vector<1000x1xf32>
    %dot_general3A_26 = tpu.matmul %max3A_5, %slice3A, %dot_general3A {dimension_numbers = #tpu.dot_dimension_numbers<[1], [0], [0], [1], [0, 0, 1, 1], [], []>, transpose_lhs_hint = false} : vector<1000x128xf32>, vector<128x1xf32>, vector<1000x1xf32> -> vector<1000x1xf32>
    %slice3A_27 = vector.extract_strided_slice %get3A_25 {offsets = [0, 1], sizes = [128, 1], strides = [1, 1]} : vector<128x8xf32> to vector<128x1xf32>
    %dot_general3A_28 = arith.constant dense<0.000000e+00> : vector<1000x1xf32>
    %dot_general3A_29 = tpu.matmul %max3A_16, %slice3A_27, %dot_general3A_28 {dimension_numbers = #tpu.dot_dimension_numbers<[1], [0], [0], [1], [0, 0, 1, 1], [], []>, transpose_lhs_hint = false} : vector<1000x128xf32>, vector<128x1xf32>, vector<1000x1xf32> -> vector<1000x1xf32>
    %slice3A_30 = vector.extract_strided_slice %get3A_25 {offsets = [0, 2], sizes = [128, 1], strides = [1, 1]} : vector<128x8xf32> to vector<128x1xf32>
    %dot_general3A_31 = arith.constant dense<0.000000e+00> : vector<1000x1xf32>
    %dot_general3A_32 = tpu.matmul %max3A_22, %slice3A_30, %dot_general3A_31 {dimension_numbers = #tpu.dot_dimension_numbers<[1], [0], [0], [1], [0, 0, 1, 1], [], []>, transpose_lhs_hint = false} : vector<1000x128xf32>, vector<128x1xf32>, vector<1000x1xf32> -> vector<1000x1xf32>
    %concatenate3A = tpu.concatenate %dot_general3A_26, %dot_general3A_29, %dot_general3A_32 in 1 : vector<1000x1xf32>, vector<1000x1xf32>, vector<1000x1xf32> -> vector<1000x3xf32>
    %neg3A = arith.constant 0.000000e+00 : f32
    %neg3A_33 = vector.broadcast %neg3A : f32 to vector<1000x3xf32>
    %neg3A_34 = arith.subf %neg3A_33, %concatenate3A : vector<1000x3xf32>
    %exp3A = math.exp %neg3A_34 : vector<1000x3xf32>
    %add3A = arith.constant 1.000000e+00 : f32
    %add3A_35 = vector.broadcast %add3A : f32 to vector<1000x3xf32>
    %add3A_36 = arith.addf %add3A_35, %exp3A : vector<1000x3xf32>
    %div3A = arith.constant 1.000000e+00 : f32
    %div3A_37 = vector.broadcast %div3A : f32 to vector<1000x3xf32>
    %div3A_38 = arith.divf %div3A_37, %add3A_36 : vector<1000x3xf32>
    %reduce_max3A = arith.constant dense<0xFF800000> : vector<1000xf32>
    %reduce_max3A_39 = vector.multi_reduction <maximumf>, %div3A_38, %reduce_max3A [1] : vector<1000x3xf32> to vector<1000xf32>
    %broadcast_in_dim3A = vector.shape_cast %reduce_max3A_39 : vector<1000xf32> to vector<1000x1xf32>
    %sub3A_40 = vector.broadcast %broadcast_in_dim3A : vector<1000x1xf32> to vector<1000x3xf32>
    %sub3A_41 = arith.subf %div3A_38, %sub3A_40 : vector<1000x3xf32>
    %exp3A_42 = math.exp %sub3A_41 : vector<1000x3xf32>
    %reduce_sum3A = arith.constant dense<0.000000e+00> : vector<1000xf32>
    %reduce_sum3A_43 = vector.multi_reduction <add>, %exp3A_42, %reduce_sum3A [1] : vector<1000x3xf32> to vector<1000xf32>
    %broadcast_in_dim3A_44 = vector.shape_cast %reduce_sum3A_43 : vector<1000xf32> to vector<1000x1xf32>
    %div3A_45 = vector.broadcast %broadcast_in_dim3A_44 : vector<1000x1xf32> to vector<1000x3xf32>
    %div3A_46 = arith.divf %exp3A_42, %div3A_45 : vector<1000x3xf32>
    %slice3A_47 = vector.extract_strided_slice %div3A_46 {offsets = [0, 0], sizes = [1000, 1], strides = [1, 1]} : vector<1000x3xf32> to vector<1000x1xf32>
    %mul3A = vector.broadcast %slice3A_47 : vector<1000x1xf32> to vector<1000x128xf32>
    %mul3A_48 = arith.mulf %mul3A, %max3A_5 : vector<1000x128xf32>
    %slice3A_49 = vector.extract_strided_slice %div3A_46 {offsets = [0, 1], sizes = [1000, 1], strides = [1, 1]} : vector<1000x3xf32> to vector<1000x1xf32>
    %mul3A_50 = vector.broadcast %slice3A_49 : vector<1000x1xf32> to vector<1000x128xf32>
    %mul3A_51 = arith.mulf %mul3A_50, %max3A_16 : vector<1000x128xf32>
    %add3A_52 = arith.addf %mul3A_48, %mul3A_51 : vector<1000x128xf32>
    %slice3A_53 = vector.extract_strided_slice %div3A_46 {offsets = [0, 2], sizes = [1000, 1], strides = [1, 1]} : vector<1000x3xf32> to vector<1000x1xf32>
    %mul3A_54 = vector.broadcast %slice3A_53 : vector<1000x1xf32> to vector<1000x128xf32>
    %mul3A_55 = arith.mulf %mul3A_54, %max3A_22 : vector<1000x128xf32>
    %add3A_56 = arith.addf %add3A_52, %mul3A_55 : vector<1000x128xf32>
    %reduce_max3A_57 = arith.constant dense<0xFF800000> : vector<1000xf32>
    %reduce_max3A_58 = vector.multi_reduction <maximumf>, %add3A_56, %reduce_max3A_57 [1] : vector<1000x128xf32> to vector<1000xf32>
    %broadcast_in_dim3A_59 = vector.shape_cast %reduce_max3A_58 : vector<1000xf32> to vector<1000x1xf32>
    %sub3A_60 = vector.broadcast %broadcast_in_dim3A_59 : vector<1000x1xf32> to vector<1000x128xf32>
    %sub3A_61 = arith.subf %add3A_56, %sub3A_60 : vector<1000x128xf32>
    %exp3A_62 = math.exp %sub3A_61 : vector<1000x128xf32>
    %reduce_sum3A_63 = arith.constant dense<0.000000e+00> : vector<1000xf32>
    %reduce_sum3A_64 = vector.multi_reduction <add>, %exp3A_62, %reduce_sum3A_63 [1] : vector<1000x128xf32> to vector<1000xf32>
    %broadcast_in_dim3A_65 = vector.shape_cast %reduce_sum3A_64 : vector<1000xf32> to vector<1000x1xf32>
    %log3A = math.log %broadcast_in_dim3A_65 : vector<1000x1xf32>
    %sub3A_66 = vector.broadcast %log3A : vector<1000x1xf32> to vector<1000x128xf32>
    %sub3A_67 = arith.subf %sub3A_61, %sub3A_66 : vector<1000x128xf32>
    %swap3A = arith.constant 0 : index
    %swap3A_68 = arith.constant 0 : index
    %swap3A_69 = vector.load %arg6[%swap3A, %swap3A_68] : memref<1000x128xf32, #tpu.memory_space<vmem>>, vector<1000x128xf32>
    tpu.vector_store %arg6[%swap3A, %swap3A_68], %sub3A_67 {strides = array<i32>} : memref<1000x128xf32, #tpu.memory_space<vmem>>, vector<1000x128xf32>,
    return
  }
  func.func @transform_0(%arg0: i32) -> (i32, i32, i32) {
    %c0_i32 = arith.constant 0 : i32
    %c0_i32_0 = arith.constant 0 : i32
    %c0_i32_1 = arith.constant 0 : i32
    return %c0_i32, %arg0, %c0_i32_0 : i32, i32, i32
  }
  func.func @transform_1(%arg0: i32) -> (i32, i32, i32) {
    %c1_i32 = arith.constant 1 : i32
    %c0_i32 = arith.constant 0 : i32
    %c0_i32_0 = arith.constant 0 : i32
    return %c1_i32, %arg0, %c0_i32 : i32, i32, i32
  }
  func.func @transform_2(%arg0: i32) -> (i32, i32) {
    %c0_i32 = arith.constant 0 : i32
    %c0_i32_0 = arith.constant 0 : i32
    return %arg0, %c0_i32 : i32, i32
  }
  func.func @transform_3(%arg0: i32) -> (i32, i32) {
    %c0_i32 = arith.constant 0 : i32
    %c0_i32_0 = arith.constant 0 : i32
    return %arg0, %c0_i32 : i32, i32
  }
  func.func @transform_4(%arg0: i32) -> (i32, i32) {
    %c0_i32 = arith.constant 0 : i32
    %c0_i32_0 = arith.constant 0 : i32
    %c0_i32_1 = arith.constant 0 : i32
    return %c0_i32, %c0_i32_0 : i32, i32
  }
  func.func @transform_5(%arg0: i32) -> (i32, i32) {
    %c0_i32 = arith.constant 0 : i32
    %c0_i32_0 = arith.constant 0 : i32
    return %arg0, %c0_i32 : i32, i32
  }
}

</mosaic_0001>

<sc_bundles>
// kernel: kernel.5.cloned.1.call-start
scs
__scs_entry_jumppad:
0x0: {  	(pc) =	sbr.rel $0x88, $3  }
0x1: {  	(tag) =	ssettag $0x0;
	lr =	simm.s32 $0x1  }
0x2: {  	[smem:$0x3F95] =	sst lr;
	_ =	strace $0xD0000000  }
0x3: {  	_ = 	snop  }
0x4: {  	_ = 	snop  }
0x5: {  	_ = 	snop  }
0x6: {  	_ = 	snop  }
0x7: {  	_ = 	snop  }
__scs_overlays_trampoline_lowered:
0x8: {  	[smem:$0x3FA4] =	sst s0  }
0x9: {  	[smem:$0x3FA5] =	sst s1  }
0xa: {  	[smem:$0x3FA6] =	sst s2  }
0xb: {  	[smem:$0x3FA7] =	sst s3  }
0xc: {  	[smem:$0x3FA8] =	sst s4  }
0xd: {  	[smem:$0x3FA9] =	sst s5  }
0xe: {  	[smem:$0x3FAA] =	sst s6  }
0xf: {  	[smem:$0x3FAB] =	sst s7  }
0x10: {  	[smem:$0x3FAC] =	sst s8  }
0x11: {  	[smem:$0x3FAD] =	sst s9;
	s0 =	simm.s32 @!p0 $0x0  }
0x12: {  	s1 =	sld [smem:$0x3F93];
	s0 =	simm.s32 @p0 $0x1  }
0x13: {  	[smem:$0x3FAE] =	sst s0;
	s0 =	simm.s32 @!p1 $0x0  }
0x14: {  	s2 =	sld [smem:$0x3F92];
	s0 =	simm.s32 @p1 $0x1  }
0x15: {  	[smem:$0x3FAF] =	sst s0;
	s0 =	simm.s32 @!p2 $0x0  }
0x16: {  	s3 =	sld [smem:$0x3FDB];
	s0 =	simm.s32 @p2 $0x1  }
0x17: {  	s4 =	simm.s32 $0x1BF5;
	[smem:$0x3FB1] =	sst s0  }
0x18: {  	s0 =	sld [smem:$0x3F94];
	_ =	swait.ge [sflag:s4], $0x0  }
0x19: {  	s7 =	sld [smem:$0x3F95]  }
0x1a: {  	s8 =	sadd.s32 $0xFFFFE003, lr  }
0x1b: {  	s9 =	sadd.s32 $0xFFFFFEF7, lr;
	s5 =	simm.s32 $0xFFFFFFFF;
	p2 =	slt.u32 s8, $0xFFFFF086  }
0x1c: {  	p1 =	slt.u32 s9, $0xF7A;
	s5 =	simm.s32 @!p2 $0x0  }
0x1d: {  	s5 =	simm.s32 @p1 $0x1;
	p0 =	seq.s32 s7, s2  }
0x1e: {  	s7 =	smul.u32 @!p0 $0xF7A, s2;
	p2 =	seq.s32 @!p0 s5, $0x0  }
0x1f: {  	s9 =	smul.u32 $0xF7A, s1;
	s8 =	simm.s32 @!p0 $0x1BF5;
	p2 =	por !p2, p0  }
0x20: {  	[sflag:s8] =	ssyncset.s32 @!p0 $0xFFFFF086;
	s6 =	sadd.s32 @!p0 s3, s7;
	s7 =	simm.s32 @!p0 $0x108  }
0x21: {  	s3 =	sadd.s32 s3, s9;
	s6 =	sadd.s32 @!p0 $0x88, s6;
	s7 =	simm.s32 @p2 $0x1082  }
0x22: {  	[simem:s7], [sflag:s8] =	dma.local @!p0 [hbm:s6], $0xF7A  }
0x23: {  	s9 =	sor.u32 $0xD0000000, s2;
	s6 =	simm.s32 $0x108;
	_ =	swait.ge @!p0 [sflag:s8], $0x0  }
0x24: {  	s3 =	sadd.s32 $0x88, s3;
	s6 =	simm.s32 @!p1 $0x1082;
	[sflag:s4] =	ssyncset.s32 $0xFFFFF086  }
0x25: {  	[simem:s6], [sflag:s4] =	dma.local [hbm:s3], $0xF7A  }
0x26: {  	[smem:$0x3F95] =	sst s1;
	(tag) =	ssettag s2;
	_ =	strace s9  }
0x27: {  	s1 =	sld [smem:$0x3FA5]  }
0x28: {  	s2 =	sld [smem:$0x3FA6]  }
0x29: {  	s4 =	sld [smem:$0x3FA8]  }
0x2a: {  	p0 =	seq.s32 s5, $0x0;
	s5 =	sld [smem:$0x3FA9]  }
0x2b: {  	s6 =	sld [smem:$0x3FAA]  }
0x2c: {  	s7 =	sld [smem:$0x3FAB]  }
0x2d: {  	s3 =	simm.s32 $0x108;
	s8 =	sld [smem:$0x3FAC]  }
0x2e: {  	s3 =	simm.s32 @!p0 $0x1082;
	s9 =	sld [smem:$0x3FAD]  }
0x2f: {  	lr =	sadd.s32 s0, s3;
	s0 =	sld [smem:$0x3FA4]  }
0x30: {  	s3 =	sld [smem:$0x3FA7]  }
0x31: {  	[smem:$0x3FB0] =	sst s10  }
0x32: {  	s10 =	sld [smem:$0x3FAE];
	_ =	sdelay $0x3  }
0x33: {  	p0 =	seq.s32 s10, $0x1;
	s10 =	sld [smem:$0x3FB0];
	_ =	sdelay $0x3  }
0x34: {  	[smem:$0x3FB0] =	sst s10  }
0x35: {  	s10 =	sld [smem:$0x3FAF];
	_ =	sdelay $0x3  }
0x36: {  	p1 =	seq.s32 s10, $0x1;
	s10 =	sld [smem:$0x3FB0];
	_ =	sdelay $0x3  }
0x37: {  	[smem:$0x3FB0] =	sst s10  }
0x38: {  	s10 =	sld [smem:$0x3FB1]  }
0x39: {  	_ = 	snop;
	(pc) =	sbr.ind lr, $3  }
0x3a: {  	_ = 	snop  }
0x3b: {  	_ = 	snop  }
0x3c: {  	p2 =	seq.s32 s10, $0x1;
	s10 =	sld [smem:$0x3FB0]  }
0x3d: {  	_ =	shalt  }
0x3e: {  	_ =	shalt  }
0x3f: {  	_ =	shalt  }
0x40: {  	_ =	shalt  }
0x41: {  	_ =	shalt  }
0x42: {  	_ =	shalt  }
0x43: {  	_ =	shalt  }
0x44: {  	_ =	shalt  }
0x45: {  	_ =	shalt  }
0x46: {  	_ =	shalt  }
0x47: {  	_ =	shalt  }
0x48: {  	_ =	shalt  }
0x49: {  	_ =	shalt  }
0x4a: {  	_ =	shalt  }
0x4b: {  	_ =	shalt  }
0x4c: {  	_ =	shalt  }
0x4d: {  	_ =	shalt  }
0x4e: {  	_ =	shalt  }
0x4f: {  	_ =	shalt  }
0x50: {  	_ =	shalt  }
0x51: {  	_ =	shalt  }
0x52: {  	_ =	shalt  }
0x53: {  	_ =	shalt  }
0x54: {  	_ =	shalt  }
0x55: {  	_ =	shalt  }
0x56: {  	_ =	shalt  }
0x57: {  	_ =	shalt  }
0x58: {  	_ =	shalt  }
0x59: {  	_ =	shalt  }
0x5a: {  	_ =	shalt  }
0x5b: {  	_ =	shalt  }
0x5c: {  	_ =	shalt  }
0x5d: {  	_ =	shalt  }
0x5e: {  	_ =	shalt  }
0x5f: {  	_ =	shalt  }
0x60: {  	_ =	shalt  }
0x61: {  	_ =	shalt  }
0x62: {  	_ =	shalt  }
0x63: {  	_ =	shalt  }
0x64: {  	_ =	shalt  }
0x65: {  	_ =	shalt  }
0x66: {  	_ =	shalt  }
0x67: {  	_ =	shalt  }
0x68: {  	_ =	shalt  }
0x69: {  	_ =	shalt  }
0x6a: {  	_ =	shalt  }
0x6b: {  	_ =	shalt  }
0x6c: {  	_ =	shalt  }
0x6d: {  	_ =	shalt  }
0x6e: {  	_ =	shalt  }
0x6f: {  	_ =	shalt  }
0x70: {  	_ =	shalt  }
0x71: {  	_ =	shalt  }
0x72: {  	_ =	shalt  }
0x73: {  	_ =	shalt  }
0x74: {  	_ =	shalt  }
0x75: {  	_ =	shalt  }
0x76: {  	_ =	shalt  }
0x77: {  	_ =	shalt  }
0x78: {  	_ =	shalt  }
0x79: {  	_ =	shalt  }
0x7a: {  	_ =	shalt  }
0x7b: {  	_ =	shalt  }
0x7c: {  	_ =	shalt  }
0x7d: {  	_ =	shalt  }
0x7e: {  	_ =	shalt  }
0x7f: {  	_ =	shalt  }
0x80: {  	_ =	shalt  }
0x81: {  	_ =	shalt  }
0x82: {  	_ =	shalt  }
0x83: {  	_ =	shalt  }
0x84: {  	_ =	shalt  }
0x85: {  	_ =	shalt  }
0x86: {  	_ =	shalt  }
0x87: {  	_ =	shalt  }
.Lfunc_end0:
.L_simem_size_0:
called_computation_lowered:
.L_overlay_start_0:
0x88: {  	s2 =	sld [smem:$0x3FD9]  }
0x89: {  	s3 =	sld [smem:$0x3FFE];
	_ =	sdelay $0x1  }
0x8a: {  	s1 =	srdreg.scid  }
0x8b: {  	s0 =	sand.u32 $0x1, s1  }
0x8c: {  	s17 =	sshll.u32 s0, $0xA;
	s2 =	sadd.s32 s3, s2  }
0x8d: {  	s2 =	sadd.s32 s2, s17  }
0x8e: {  	[smem:$0x3FBC] =	sst s2  }
0x8f: {  	_ = 	snop  }
0x90: {  	s2 =	sld [smem:$0x3FD0];
	(tm) =	ssettm $0x1  }
0x91: {  	s18 =	sld [smem:$0x3FFB];
	_ =	sdelay $0x3  }
0x92: {  	_ =	strace s18  }
0x93: {  	s3 =	sld [smem:$0x3FFC];
	_ =	sdelay $0x3  }
0x94: {  	_ =	strace s3  }
0x95: {  	s3 =	sld [smem:$0x3FFD];
	_ =	sdelay $0x3  }
0x96: {  	_ =	strace s3  }
0x97: {  	_ =	strace $0x8FFFFFFF  }
0x98: {  	s19 =	sld [smem:$0x3FDB];
	_ =	sdelay $0x1  }
0x99: {  	s4 =	simm.s32 $_scs_section_size  }
0x9a: {  	s5 =	simm.s32 $_size__tile_overlayer_lowered;
	s6 =	simm.s32 $_tile_overlayer_lowered  }
0x9b: {  	s22 =	simm.s32 $0x1BFF;
	s21 =	sshll.u32 s6, $0x1;
	s3 =	sadd.s32 s4, s19  }
0x9c: {  	s7 =	simm.s32 $0x0;
	s20 =	sshll.u32 s5, $0x1;
	s5 =	sadd.s32 s21, s3  }
0x9d: {  	[timem:s7], [sflag:s22] =	dma.local [hbm:s5], s20  }
0x9e: {  	_ =	swait.ge [sflag:s22], s20  }
0x9f: {  	s4 =	ssub.s32 $0x0, s20;
	[sflag:s22] =	ssyncset.done $0x0  }
0xa0: {  	[sflag:s22] =	ssyncadd.s32 s4;
	_ =	sdelay $0x1  }
0xa1: {  	s23 =	simm.s32 $0x1B8B  }
0xa2: {  	_ =	swait.ge [sflag:s23], $0x1  }
0xa3: {  	[sflag:s23] =	ssyncset.done $0x0  }
0xa4: {  	s25 =	simm.s32 $0x1B8E;
	s24 =	sld [smem:$0x3FFE];
	[sflag:s23] =	ssyncadd.s32 $0xFFFFFFFF  }
0xa5: {  	s26 =	simm.s32 $execute0_lowered;
	[smem:$0x3FD2] =	sst s25  }
0xa6: {  	s5 =	sshll.u32 s26, $0x1;
	_ =	strace $0x80000046;
	[dreg:$0x1] =	wrdreg $0xFFFFFFFF  }
0xa7: {  	s28 =	simm.s32 $_size_execute0_lowered;
	s3 =	sadd.s32 s3, s5;
	[dreg:$0x0] =	wrdreg $0x0  }
0xa8: {  	s5 =	sshll.u32 s28, $0x1;
	[dreg:$0x2] =	wrdreg s3  }
0xa9: {  	[dreg:$0x3] =	wrdreg s5  }
0xaa: {  	[dreg:$0x4] =	wrdreg $0xC0  }
0xab: {  	_ =	task [dreg:s7], $0x5FFFF  }
0xac: {  	[dreg:$0x1] =	wrdreg $0xFFFFFFFF  }
0xad: {  	[dreg:$0x0] =	wrdreg $0x60  }
0xae: {  	[dreg:$0x2] =	wrdreg s24  }
0xaf: {  	[dreg:$0x3] =	wrdreg s2  }
0xb0: {  	[dreg:$0x4] =	wrdreg $0x0  }
0xb1: {  	[dreg:$0x5] =	wrdreg $0x140000  }
0xb2: {  	[dreg:$0x6] =	wrdreg $0x9  }
0xb3: {  	_ =	task.clear_ibuf [dreg:s7], $0x7FFFF;
	_ =	strace $0x90000046  }
0xb4: {  	s29 =	simm.s32 $0x9;
	_ =	strace $0x80000048  }
0xb5: {  	_ =	swait.ge [sflag:s29], $0x1  }
0xb6: {  	[sflag:s29] =	ssyncadd.s32 $0xFFFFFFFF  }
0xb7: {  	_ =	strace $0x90000048  }
0xb8: {  	_ =	sfence  }
0xb9: {  	s30 =	sld [smem:$0x0];
	_ =	sdelay $0x2  }
0xba: {  	s31 =	sshll.u32 s1, $0xD;
	s1 =	sshrl.u32 s1, $0x2  }
0xbb: {  	s3 =	sand.u32 $0x4000, s31;
	s1 =	sadd.s32 s1, s30  }
0xbc: {  	s0 =	sor.u32 s3, s0;
	s1 =	sshll.u32 s1, $0x11  }
0xbd: {  	s0 =	sor.u32 s1, s0  }
0xbe: {  	s0 =	sadd.s32 $0x8F2B, s0  }
0xbf: {  	[sflag:s0] =	ssyncadd.remote.s32 $0x1  }
0xc0: {  	_ =	sfence.sel $0xFFFF  }
0xc1: {  	[dreg:$0x0] =	wrdreg $0xFFFFFFFF;
	(pc) =	sbr.abs _section_cstart, $3  }
0xc2: {  	[dreg:$0x1] =	wrdreg $0xFFFFFFFF  }
0xc3: {  	_ =	task.clear_ibuf [dreg:s7], $0x2FFFF;
	_ =	strace $0x9FFFFFFF  }
0xc4: {  	(tm) =	ssettm $0x7FFFFFFF  }
0xc5: {  	_ =	shalt  }
tec
execute0_lowered:
.L_overlay_start_1:
0x0: {  	(tag) =	ssettag $0x1  }
0x1: {  	s0 =	rddreg [dreg:$0x0]  }
0x2: {  	s1 =	rddreg [dreg:$0x1]  }
0x3: {  	s2 =	rddreg [dreg:$0x2]  }
0x4: {  	s3 =	rddreg [dreg:$0x3];
	s4 =	simm.s32 $0x0;
	s5 =	srdreg.scid  }
0x5: {  	s23 =	stileid.u32;
	s28 =	simm.s32 $0x1;
	s29 =	simm.s32 $0x1D0A0  }
0x6: {  	s30 =	simm.s32 $0x18280;
	s31 =	simm.s32 $0x1A990;
	[smem:$0x7FF] =	sst s4  }
0x7: {  	s6 =	sadd.s32 $0xC000, s0;
	s7 =	sadd.s32 $0x2200, s0;
	s8 =	sadd.s32 $0xE00, s0  }
0x8: {  	s5 =	sand.u32 $0x1, s5;
	s9 =	sadd.s32 $0x5A200, s0;
	s10 =	smul.u32 $0x14000, s23  }
0x9: {  	s11 =	sadd.s32 $0x5AA00, s0;
	s0 =	sadd.s32 $0x5AC00, s0;
	s25 =	smul.u32 $0x9C, s23  }
0xa: {  	s26 =	smin.u32 s23, $0x4;
	p0 =	slt.u32 s23, $0x4;
	s12 =	smul.u32 $0x4E20, s5  }
0xb: {  	_ =	strace $0x80000047;
	[dreg:$0x5] =	wrdreg s9;
	s15 =	smul.u32 $0x9C4, s5  }
0xc: {  	s22 =	ssub.s32 $0x2, s5;
	[dreg:$0x6] =	wrdreg s11;
	s16 =	smul.u32 $0x140000, s5  }
0xd: {  	s24 =	sshrl.u32 s22, $0x1;
	s11 =	sadd.s32 $0x4000, s10;
	s13 =	sadd.s32 $0x8000, s10  }
0xe: {  	s14 =	sadd.s32 $0xC000, s10;
	s21 =	sadd.s32 $0x10000, s10;
	s9 =	ssub.s32 s22, s24  }
0xf: {  	s12 =	sshrl.u32 s12, $0x3;
	s15 =	sadd.s32 s8, s15;
	s17 =	sadd.s32 s10, s16  }
0x10: {  	s18 =	sadd.s32 s16, s11;
	s24 =	sadd.s32 s16, s13;
	[dreg:$0x7] =	wrdreg s15  }
0x11: {  	s8 =	sadd.s32 s8, s12;
	s12 =	sadd.s32 s26, s25;
	s19 =	sshrl.u32 s17, $0x3  }
0x12: {  	s20 =	sshrl.u32 s18, $0x3;
	s25 =	sadd.s32 s16, s14;
	s16 =	sadd.s32 s16, s21  }
0x13: {  	s17 =	sadd.s32 s10, s2;
	s18 =	sadd.s32 s11, s2;
	s21 =	sadd.s32 s21, s2  }
0x14: {  	s10 =	simm.s32 $0x0;
	s15 =	sadd.s32 s0, s19;
	s22 =	sadd.s32 s0, s20  }
0x15: {  	s26 =	sshrl.u32 s25, $0x3;
	[dreg:$0x8] =	wrdreg s15;
	s15 =	sshrl.u32 s24, $0x3  }
0x16: {  	s16 =	sshrl.u32 s16, $0x3;
	s19 =	sadd.s32 s13, s2;
	s15 =	sadd.s32 s0, s15  }
0x17: {  	s20 =	sadd.s32 s14, s2;
	[dreg:$0xa] =	wrdreg s15;
	s15 =	sadd.s32 s0, s26  }
0x18: {  	s25 =	smax.u32 s9, $0x1;
	[dreg:$0xb] =	wrdreg s15;
	s15 =	smul.u32 $0xA00, s23  }
0x19: {  	s9 =	simm.s32 $0x1D420;
	[dreg:$0x9] =	wrdreg s22;
	s0 =	sadd.s32 s0, s16  }
0x1a: {  	s16 =	smul.u32 $0x2710, s5;
	[dreg:$0xc] =	wrdreg s0;
	s0 =	sshrl.u32 s15, $0x2  }
0x1b: {  	s26 =	simm.s32 $0x14280;
	s22 =	sadd.s32 s0, s3;
	s0 =	simm.s32 $0x9D  }
0x1c: {  	s5 =	simm.s32 $0x1D3A0;
	s23 =	sadd.s32 $0x4E2, s8;
	s0 =	simm.s32 @!p0 $0x9C  }
0x1d: {  	s8 =	simm.s32 $0x80;
	v0 =	vmov s16;
	s24 =	sadd.s32 s0, s12;
	s0 =	simm.s32 $0x1D320  }
.LBB2_1:
0x1e: {  	s11 =	rddreg [dreg:$0x5]  }
0x1f: {  	[tilespmem:s26], [sflag:$0x1] =	stream.linear.gather [hbm4b:s11+s4], $0x4000, $0x38;
	[tilespmem:$0x1D4A0] =	vst v63  }
0x20: {  	_ =	swait.ge [sflag:s28], $0x4000  }
0x21: {  	[sflag:s28] =	ssyncset.done $0x0  }
0x22: {  	[sflag:s28] =	ssyncadd.s32 $0xFFFFC000  }
0x23: {  	[spmem:s17] =	stream.linear.scatter [tilespmem:s26], [sflag:$0x1], $0x4000, $0x38;
	[tilespmem:$0x1D4A0] =	vst v63  }
0x24: {  	_ =	swait.ge [sflag:s28], $0x4000  }
0x25: {  	[sflag:s28] =	ssyncset.done $0x0  }
0x26: {  	[sflag:s28] =	ssyncadd.s32 $0xFFFFC000  }
0x27: {  	[spmem:s18] =	stream.linear.scatter [tilespmem:s26], [sflag:$0x1], $0x4000, $0x38;
	[tilespmem:$0x1D4A0] =	vst v63  }
0x28: {  	_ =	swait.ge [sflag:s28], $0x4000  }
0x29: {  	[sflag:s28] =	ssyncset.done $0x0  }
0x2a: {  	[sflag:s28] =	ssyncadd.s32 $0xFFFFC000  }
0x2b: {  	[spmem:s19] =	stream.linear.scatter [tilespmem:s26], [sflag:$0x1], $0x4000, $0x38;
	[tilespmem:$0x1D4A0] =	vst v63  }
0x2c: {  	_ =	swait.ge [sflag:s28], $0x4000  }
0x2d: {  	[sflag:s28] =	ssyncset.done $0x0  }
0x2e: {  	[sflag:s28] =	ssyncadd.s32 $0xFFFFC000  }
0x2f: {  	[spmem:s20] =	stream.linear.scatter [tilespmem:s26], [sflag:$0x1], $0x4000, $0x38;
	[tilespmem:$0x1D4A0] =	vst v63  }
0x30: {  	_ =	swait.ge [sflag:s28], $0x4000  }
0x31: {  	[sflag:s28] =	ssyncset.done $0x0  }
0x32: {  	[sflag:s28] =	ssyncadd.s32 $0xFFFFC000  }
0x33: {  	[spmem:s21] =	stream.linear.scatter [tilespmem:s26], [sflag:$0x1], $0x4000, $0x38;
	[tilespmem:$0x1D4A0] =	vst v63  }
0x34: {  	_ =	swait.ge [sflag:s28], $0x4000  }
0x35: {  	[sflag:s28] =	ssyncset.done $0x0  }
0x36: {  	s15 =	rddreg [dreg:$0x6];
	[sflag:s28] =	ssyncadd.s32 $0xFFFFC000  }
0x37: {  	[tilespmem:s29], [sflag:$0x1] =	stream.linear.gather [hbm4b:s15+s4], $0x280, $0x38;
	[tilespmem:$0x1D4A0] =	vst v63  }
0x38: {  	_ =	swait.ge [sflag:s28], $0x280  }
0x39: {  	[sflag:s28] =	ssyncset.done $0x0  }
0x3a: {  	[sflag:s28] =	ssyncadd.s32 $0xFFFFFD80  }
0x3b: {  	[spmem:s22] =	stream.linear.scatter [tilespmem:s29], [sflag:$0x1], $0x280, $0x38;
	[tilespmem:$0x1D4A0] =	vst v63  }
0x3c: {  	_ =	swait.ge [sflag:s28], $0x280  }
0x3d: {  	[sflag:s28] =	ssyncset.done $0x0  }
0x3e: {  	s16 =	rddreg [dreg:$0x7];
	[sflag:s28] =	ssyncadd.s32 $0xFFFFFD80  }
0x3f: {  	[tilespmem:s30], [sflag:$0x1] =	stream.linear.gather [hbm4b:s16+s4], $0x2710, $0x38;
	[tilespmem:$0x1D4A0] =	vst v63  }
0x40: {  	_ =	swait.ge [sflag:s28], $0x2710  }
0x41: {  	[sflag:s28] =	ssyncset.done $0x0  }
0x42: {  	[sflag:s28] =	ssyncadd.s32 $0xFFFFD8F0  }
0x43: {  	[tilespmem:s31], [sflag:$0x1] =	stream.linear.gather [hbm4b:s23+s4], $0x2710, $0x38;
	[tilespmem:$0x1D4A0] =	vst v63  }
0x44: {  	_ =	swait.ge [sflag:s28], $0x2710  }
0x45: {  	[sflag:s28] =	ssyncset.done $0x0  }
0x46: {  	[sflag:s28] =	ssyncadd.s32 $0xFFFFD8F0  }
0x47: {  	s11 =	smov.u32 s12;
	[bflag:$0x0] =	sbarrier.arrive $0xFFFF  }
.LBB2_2:
0x48: {  	s14 =	sshll.u32 s11, $0x4  }
0x49: {  	s13 =	simm.s32 $0x0;
	s15 =	sadd.s32 s7, s14  }
0x4a: {  	[tilespmem:s0], [sflag:$0x1] =	stream.linear.gather [hbm4b:s15+s13], $0x80, $0x38;
	[tilespmem:$0x1D4A0] =	vst v63  }
0x4b: {  	_ =	swait.ge [sflag:s28], $0x80  }
0x4c: {  	[sflag:s28] =	ssyncset.done $0x0  }
0x4d: {  	s14 =	sadd.s32 s1, s14;
	[sflag:s28] =	ssyncadd.s32 $0xFFFFFF80  }
0x4e: {  	[tilespmem:s5], [sflag:$0x1] =	stream.linear.gather [hbm4b:s14+s13], $0x80, $0x38;
	[tilespmem:$0x1D4A0] =	vst v63  }
0x4f: {  	_ =	swait.ge [sflag:s28], $0x80  }
0x50: {  	[sflag:s28] =	ssyncset.done $0x0  }
0x51: {  	[sflag:s28] =	ssyncadd.s32 $0xFFFFFF80  }
0x52: {  	v1 =	vld [tilespmem:$0x1D320]  }
0x53: {  	v2 =	vld [tilespmem:$0x1D3A0];
	_ =	sdelay $0x6  }
0x54: {  	v3 =	vld.idx.msk [tilespmem:v1+s30+$0x0], $0xffff  }
0x55: {  	v2 =	vld.idx.msk [tilespmem:v2+s31+$0x0], $0xffff;
	_ =	sdelay $0x4  }
0x56: {  	v2 =	vadd.f32 v2, v3;
	_ =	sdelay $0x1  }
0x57: {  	v3 =	vmul.f32 $2.000000030e-01, v2;
	_ =	sdelay $0x1  }
0x58: {  	v2 =	vmax.f32 v2, v3  }
0x59: {  	v2 =	vmul.f32 $1.442695020e+00, v2;
	_ =	sdelay $0x1  }
0x5a: {  	(erf) = vpow2.f32 v2;
	_ =	sdelay $0x2  }
0x5b: {  	v2 =	vld [tilespmem:$0x1D330]  }
0x5c: {  	v3 =	vld [tilespmem:$0x1D3B0];
	_ =	sdelay $0x3  }
0x5d: {  	v1 =	vadd.s32 v0, v1  }
0x5e: {  	[tilespmem:$0x1D320] =	vst v1;
	v4 =	vpop (erf)  }
0x5f: {  	[tilespmem:$0x1D420] =	vst v4  }
0x60: {  	v1 =	vld.idx.msk [tilespmem:v2+s30+$0x0], $0xffff  }
0x61: {  	v3 =	vld.idx.msk [tilespmem:v3+s31+$0x0], $0xffff;
	_ =	sdelay $0x4  }
0x62: {  	v1 =	vadd.f32 v3, v1;
	_ =	sdelay $0x1  }
0x63: {  	v3 =	vmul.f32 $2.000000030e-01, v1;
	_ =	sdelay $0x1  }
0x64: {  	v1 =	vmax.f32 v1, v3  }
0x65: {  	v1 =	vmul.f32 $1.442695020e+00, v1;
	_ =	sdelay $0x1  }
0x66: {  	(erf) = vpow2.f32 v1;
	_ =	sdelay $0x2  }
0x67: {  	v1 =	vld [tilespmem:$0x1D340]  }
0x68: {  	v3 =	vld [tilespmem:$0x1D3C0];
	_ =	sdelay $0x3  }
0x69: {  	v2 =	vadd.s32 v0, v2  }
0x6a: {  	[tilespmem:$0x1D330] =	vst v2;
	v4 =	vpop (erf)  }
0x6b: {  	[tilespmem:$0x1D430] =	vst v4  }
0x6c: {  	v2 =	vld.idx.msk [tilespmem:v1+s30+$0x0], $0xffff  }
0x6d: {  	v3 =	vld.idx.msk [tilespmem:v3+s31+$0x0], $0xffff;
	_ =	sdelay $0x4  }
0x6e: {  	v2 =	vadd.f32 v3, v2;
	_ =	sdelay $0x1  }
0x6f: {  	v3 =	vmul.f32 $2.000000030e-01, v2;
	_ =	sdelay $0x1  }
0x70: {  	v2 =	vmax.f32 v2, v3  }
0x71: {  	v2 =	vmul.f32 $1.442695020e+00, v2;
	_ =	sdelay $0x1  }
0x72: {  	(erf) = vpow2.f32 v2;
	_ =	sdelay $0x2  }
0x73: {  	v2 =	vld [tilespmem:$0x1D350]  }
0x74: {  	v3 =	vld [tilespmem:$0x1D3D0];
	_ =	sdelay $0x3  }
0x75: {  	v1 =	vadd.s32 v0, v1  }
0x76: {  	[tilespmem:$0x1D340] =	vst v1;
	v4 =	vpop (erf)  }
0x77: {  	[tilespmem:$0x1D440] =	vst v4  }
0x78: {  	v1 =	vld.idx.msk [tilespmem:v2+s30+$0x0], $0xffff  }
0x79: {  	v3 =	vld.idx.msk [tilespmem:v3+s31+$0x0], $0xffff;
	_ =	sdelay $0x4  }
0x7a: {  	v1 =	vadd.f32 v3, v1;
	_ =	sdelay $0x1  }
0x7b: {  	v3 =	vmul.f32 $2.000000030e-01, v1;
	_ =	sdelay $0x1  }
0x7c: {  	v1 =	vmax.f32 v1, v3  }
0x7d: {  	v1 =	vmul.f32 $1.442695020e+00, v1;
	_ =	sdelay $0x1  }
0x7e: {  	(erf) = vpow2.f32 v1;
	_ =	sdelay $0x2  }
0x7f: {  	v1 =	vld [tilespmem:$0x1D360]  }
0x80: {  	v3 =	vld [tilespmem:$0x1D3E0];
	_ =	sdelay $0x3  }
0x81: {  	v2 =	vadd.s32 v0, v2  }
0x82: {  	[tilespmem:$0x1D350] =	vst v2;
	v4 =	vpop (erf)  }
0x83: {  	[tilespmem:$0x1D450] =	vst v4  }
0x84: {  	v2 =	vld.idx.msk [tilespmem:v1+s30+$0x0], $0xffff  }
0x85: {  	v3 =	vld.idx.msk [tilespmem:v3+s31+$0x0], $0xffff;
	_ =	sdelay $0x4  }
0x86: {  	v2 =	vadd.f32 v3, v2;
	_ =	sdelay $0x1  }
0x87: {  	v3 =	vmul.f32 $2.000000030e-01, v2;
	_ =	sdelay $0x1  }
0x88: {  	v2 =	vmax.f32 v2, v3  }
0x89: {  	v2 =	vmul.f32 $1.442695020e+00, v2;
	_ =	sdelay $0x1  }
0x8a: {  	(erf) = vpow2.f32 v2;
	_ =	sdelay $0x2  }
0x8b: {  	v2 =	vld [tilespmem:$0x1D370]  }
0x8c: {  	v3 =	vld [tilespmem:$0x1D3F0];
	_ =	sdelay $0x3  }
0x8d: {  	v1 =	vadd.s32 v0, v1  }
0x8e: {  	[tilespmem:$0x1D360] =	vst v1;
	v4 =	vpop (erf)  }
0x8f: {  	[tilespmem:$0x1D460] =	vst v4  }
0x90: {  	v1 =	vld.idx.msk [tilespmem:v2+s30+$0x0], $0xffff  }
0x91: {  	v3 =	vld.idx.msk [tilespmem:v3+s31+$0x0], $0xffff;
	_ =	sdelay $0x4  }
0x92: {  	v1 =	vadd.f32 v3, v1;
	_ =	sdelay $0x1  }
0x93: {  	v3 =	vmul.f32 $2.000000030e-01, v1;
	_ =	sdelay $0x1  }
0x94: {  	v1 =	vmax.f32 v1, v3  }
0x95: {  	v1 =	vmul.f32 $1.442695020e+00, v1;
	_ =	sdelay $0x1  }
0x96: {  	(erf) = vpow2.f32 v1;
	_ =	sdelay $0x2  }
0x97: {  	v1 =	vld [tilespmem:$0x1D380]  }
0x98: {  	v3 =	vld [tilespmem:$0x1D400];
	_ =	sdelay $0x3  }
0x99: {  	v2 =	vadd.s32 v0, v2  }
0x9a: {  	[tilespmem:$0x1D370] =	vst v2;
	v4 =	vpop (erf)  }
0x9b: {  	[tilespmem:$0x1D470] =	vst v4  }
0x9c: {  	v2 =	vld.idx.msk [tilespmem:v1+s30+$0x0], $0xffff  }
0x9d: {  	v3 =	vld.idx.msk [tilespmem:v3+s31+$0x0], $0xffff;
	_ =	sdelay $0x4  }
0x9e: {  	v2 =	vadd.f32 v3, v2;
	_ =	sdelay $0x1  }
0x9f: {  	v3 =	vmul.f32 $2.000000030e-01, v2;
	_ =	sdelay $0x1  }
0xa0: {  	v2 =	vmax.f32 v2, v3  }
0xa1: {  	v2 =	vmul.f32 $1.442695020e+00, v2;
	_ =	sdelay $0x1  }
0xa2: {  	(erf) = vpow2.f32 v2;
	_ =	sdelay $0x2  }
0xa3: {  	v2 =	vld [tilespmem:$0x1D390]  }
0xa4: {  	v3 =	vld [tilespmem:$0x1D410];
	_ =	sdelay $0x3  }
0xa5: {  	v1 =	vadd.s32 v0, v1  }
0xa6: {  	[tilespmem:$0x1D380] =	vst v1;
	v4 =	vpop (erf)  }
0xa7: {  	[tilespmem:$0x1D480] =	vst v4  }
0xa8: {  	v1 =	vld.idx.msk [tilespmem:v2+s30+$0x0], $0xffff  }
0xa9: {  	v3 =	vld.idx.msk [tilespmem:v3+s31+$0x0], $0xffff;
	_ =	sdelay $0x4  }
0xaa: {  	v1 =	vadd.f32 v3, v1;
	_ =	sdelay $0x1  }
0xab: {  	v3 =	vmul.f32 $2.000000030e-01, v1;
	_ =	sdelay $0x1  }
0xac: {  	v1 =	vmax.f32 v1, v3  }
0xad: {  	v1 =	vmul.f32 $1.442695020e+00, v1;
	_ =	sdelay $0x1  }
0xae: {  	(erf) = vpow2.f32 v1;
	_ =	sdelay $0x8  }
0xaf: {  	v1 =	vpop (erf)  }
0xb0: {  	[tilespmem:$0x1D490] =	vst v1;
	v1 =	vadd.s32 v0, v2  }
0xb1: {  	[tilespmem:$0x1D390] =	vst v1  }
0xb2: {  	[tilespmem:s26], [sflag:$0x1] =	stream.indirect.gather [hbm4b:s6+s8], $0x80, s0, s8, $0xb8;
	[tilespmem:$0x1D4A0] =	vst v63  }
0xb3: {  	_ =	swait.ge [sflag:s28], $0x4000  }
0xb4: {  	v1 =	vmov s13;
	[sflag:s28] =	ssyncset.done $0x0  }
0xb5: {  	s13 =	simm.s32 $0x142C0;
	[sflag:s28] =	ssyncadd.s32 $0xFFFFC000  }
0xb6: {  	v5 =	vld [tilespmem:s13+$0x30]  }
0xb7: {  	v8 =	vld [tilespmem:s13+$0x10]  }
0xb8: {  	v6 =	vld [tilespmem:s13+$0xFFFFFFC0]  }
0xb9: {  	v2 =	vld.idx.msk [tilespmem:v1+s9+$0x0], $0xffff  }
0xba: {  	v10 =	vld [tilespmem:s13+$0xFFFFFFE0]  }
0xbb: {  	v1 =	vld [tilespmem:s13+$0xFFFFFFF0]  }
0xbc: {  	v3 =	vld [tilespmem:s13+$0x20]  }
0xbd: {  	v4 =	vld [tilespmem:s13+$0xFFFFFFD0]  }
0xbe: {  	v9 =	vmul.f32 v5, v2;
	v5 =	vld [tilespmem:s13+$0x0]  }
0xbf: {  	v7 =	vmul.f32 v6, v2  }
0xc0: {  	s15 =	simm.s32 $0x142C0;
	s14 =	simm.s32 $0x1;
	v6 =	vmul.f32 v10, v2;
	v8 =	vmul.f32 v8, v2  }
.LBB2_3:
0xc1: {  	p0 =	sne.s32 s14, $0x7F  }
0xc2: {  	v4 =	vmul.f32 v4, v2;
	v3 =	vmul.f32 v3, v2;
	[tilespmem:s13+$0x30] =	vst v9;
	s15 =	sadd.s32 $0x80, s15;
	s16 =	smov.u32 s14;
	s14 =	sadd.s32 $0x1, s14  }
0xc3: {  	[tilespmem:s13+$0xFFFFFFC0] =	vst v7;
	v7 =	vmul.f32 v1, v2;
	v2 =	vmul.f32 v5, v2  }
0xc4: {  	[tilespmem:s13+$0x10] =	vst v8  }
0xc5: {  	v5 =	vmov s16;
	[tilespmem:s13+$0xFFFFFFE0] =	vst v6  }
0xc6: {  	v1 =	vld [tilespmem:s15+$0xFFFFFFF0];
	[tilespmem:s13+$0xFFFFFFF0] =	vst v7  }
0xc7: {  	v6 =	vld [tilespmem:s15+$0x30];
	[tilespmem:s13+$0x0] =	vst v2  }
0xc8: {  	v8 =	vld [tilespmem:s15+$0x10];
	[tilespmem:s13+$0x20] =	vst v3  }
0xc9: {  	v7 =	vld [tilespmem:s15+$0xFFFFFFC0];
	[tilespmem:s13+$0xFFFFFFD0] =	vst v4;
	s13 =	smov.u32 s15  }
0xca: {  	v2 =	vld.idx.msk [tilespmem:v5+s9+$0x0], $0xffff  }
0xcb: {  	v10 =	vld [tilespmem:s15+$0xFFFFFFE0]  }
0xcc: {  	v3 =	vld [tilespmem:s15+$0x20]  }
.Ltmp0:
0xcd: {  	v4 =	vld [tilespmem:s15+$0xFFFFFFD0];
	(pc) =	sbr.rel @p0 .LBB2_3-.Ltmp0, $3  }
0xce: {  	v5 =	vld [tilespmem:s15+$0x0];
	_ =	sdelay $0x1  }
0xcf: {  	v7 =	vmul.f32 v7, v2;
	v9 =	vmul.f32 v6, v2  }
0xd0: {  	v8 =	vmul.f32 v8, v2;
	v6 =	vmul.f32 v10, v2  }
0xd1: {  	[tilespmem:s13+$0x30] =	vst v9  }
0xd2: {  	[tilespmem:s13+$0xFFFFFFC0] =	vst v7  }
0xd3: {  	v1 =	vmul.f32 v1, v2;
	[tilespmem:s13+$0x10] =	vst v8  }
0xd4: {  	v3 =	vmul.f32 v3, v2;
	[tilespmem:s13+$0xFFFFFFE0] =	vst v6  }
0xd5: {  	v5 =	vmul.f32 v5, v2;
	[tilespmem:s13+$0xFFFFFFF0] =	vst v1  }
0xd6: {  	v1 =	vmul.f32 v4, v2;
	[tilespmem:s13+$0x20] =	vst v3  }
0xd7: {  	[tilespmem:s13+$0x0] =	vst v5  }
0xd8: {  	[tilespmem:s13+$0xFFFFFFD0] =	vst v1  }
0xd9: {  	[spmem:s2] =	stream.indirect.scatter.add.f32 [tilespmem:s26], [sflag:$0x1], $0x80, s5, s8, $0xb8;
	[tilespmem:$0x1D4A0] =	vst v63  }
0xda: {  	s11 =	sadd.s32 $0x1, s11;
	_ =	swait.ge [sflag:s28], $0x4000  }
0xdb: {  	p0 =	slt.u32 s11, s24;
	[sflag:s28] =	ssyncset.done $0x0  }
.Ltmp1:
0xdc: {  	[sflag:s28] =	ssyncadd.s32 $0xFFFFC000;
	(pc) =	sbr.rel @p0 .LBB2_2-.Ltmp1, $4  }
0xdd: {  	[spmem:s3] =	stream.indirect.scatter.add.f32 [tilespmem:s9], [sflag:$0x1], $0x1, s5, s8, $0xb8;
	[tilespmem:$0x1D4A0] =	vst v63  }
0xde: {  	_ =	swait.ge [sflag:s28], $0x80  }
0xdf: {  	[sflag:s28] =	ssyncset.done $0x0  }
0xe0: {  	[sflag:s28] =	ssyncadd.s32 $0xFFFFFF80  }
0xe1: {  	[bflag:$0x0] =	sbarrier.arrive $0xFFFF  }
0xe2: {  	[tilespmem:s29], [sflag:$0x1] =	stream.linear.gather [spmem:s22], $0x280, $0x38;
	[tilespmem:$0x1D4A0] =	vst v63  }
0xe3: {  	_ =	swait.ge [sflag:s28], $0x280  }
0xe4: {  	s11 =	simm.s32 $0x0;
	[sflag:s28] =	ssyncset.done $0x0  }
0xe5: {  	v1 =	vmov s11;
	[sflag:s28] =	ssyncadd.s32 $0xFFFFFD80  }
0xe6: {  	[tilespmem:s26], [sflag:$0x1] =	stream.linear.gather [spmem:s17], $0x4000, $0x38;
	[tilespmem:$0x1D4A0] =	vst v63  }
0xe7: {  	_ =	swait.ge [sflag:s28], $0x4000  }
0xe8: {  	[sflag:s28] =	ssyncset.done $0x0  }
0xe9: {  	[sflag:s28] =	ssyncadd.s32 $0xFFFFC000  }
0xea: {  	v1 =	vld.idx.msk [tilespmem:v1+s29+$0x0], $0xffff;
	_ =	sdelay $0x4  }
0xeb: {  	v1 =	vadd.f32 $1.000000020e-16, v1;
	_ =	sdelay $0x1  }
0xec: {  	(erf) = vrcp.f32 v1;
	_ =	sdelay $0x1  }
0xed: {  	s11 =	simm.s32 $0x142C0  }
0xee: {  	v3 =	vld [tilespmem:s11+$0x30]  }
0xef: {  	v2 =	vld [tilespmem:s11+$0xFFFFFFC0]  }
0xf0: {  	v4 =	vld [tilespmem:s11+$0xFFFFFFD0]  }
0xf1: {  	v5 =	vld [tilespmem:s11+$0xFFFFFFE0]  }
0xf2: {  	v6 =	vld [tilespmem:s11+$0x10]  }
0xf3: {  	v1 =	vld [tilespmem:s11+$0xFFFFFFF0]  }
0xf4: {  	v7 =	vld [tilespmem:s11+$0x0];
	v8 =	vpop (erf)  }
0xf5: {  	v9 =	vld [tilespmem:s11+$0x20];
	v2 =	vmul.f32 v8, v2  }
0xf6: {  	v4 =	vmul.f32 v4, v8  }
0xf7: {  	v5 =	vmul.f32 v5, v8;
	[tilespmem:s11+$0xFFFFFFC0] =	vst v2  }
0xf8: {  	v10 =	vmul.f32 v1, v8;
	[tilespmem:s11+$0xFFFFFFD0] =	vst v4  }
0xf9: {  	s13 =	simm.s32 $0x1;
	v1 =	vmul.f32 v6, v8;
	v2 =	vmul.f32 v7, v8;
	[tilespmem:s11+$0xFFFFFFE0] =	vst v5  }
0xfa: {  	v3 =	vmul.f32 v3, v8;
	v4 =	vmul.f32 v9, v8;
	v5 =	vmov s13;
	s13 =	simm.s32 $0x2;
	[tilespmem:s11+$0xFFFFFFF0] =	vst v10  }
.LBB2_6:
0xfb: {  	p0 =	sne.s32 s13, $0x7F;
	[tilespmem:s11+$0x0] =	vst v2  }
0xfc: {  	[tilespmem:s11+$0x10] =	vst v1  }
0xfd: {  	[tilespmem:s11+$0x20] =	vst v4  }
0xfe: {  	[tilespmem:s11+$0x30] =	vst v3  }
0xff: {  	v1 =	vld.idx.msk [tilespmem:v5+s29+$0x0], $0xffff;
	_ =	sdelay $0x5  }
0x100: {  	v1 =	vadd.f32 $1.000000020e-16, v1;
	_ =	sdelay $0x1  }
0x101: {  	s11 =	sadd.s32 $0x80, s11;
	(erf) = vrcp.f32 v1  }
0x102: {  	v1 =	vld [tilespmem:s11+$0xFFFFFFF0]  }
0x103: {  	v3 =	vld [tilespmem:s11+$0x30]  }
0x104: {  	v4 =	vld [tilespmem:s11+$0x10]  }
0x105: {  	v2 =	vld [tilespmem:s11+$0xFFFFFFD0]  }
0x106: {  	v5 =	vld [tilespmem:s11+$0xFFFFFFC0]  }
0x107: {  	v6 =	vld [tilespmem:s11+$0xFFFFFFE0]  }
0x108: {  	v7 =	vld [tilespmem:s11+$0x0]  }
0x109: {  	v8 =	vld [tilespmem:s11+$0x20]  }
0x10a: {  	v9 =	vpop (erf)  }
0x10b: {  	v5 =	vmul.f32 v9, v5;
	v10 =	vmul.f32 v2, v9  }
.Ltmp2:
0x10c: {  	v11 =	vmul.f32 v1, v9;
	v6 =	vmul.f32 v6, v9;
	(pc) =	sbr.rel @p0 .LBB2_6-.Ltmp2, $4  }
0x10d: {  	v1 =	vmul.f32 v4, v9;
	[tilespmem:s11+$0xFFFFFFC0] =	vst v5;
	v2 =	vmul.f32 v7, v9  }
0x10e: {  	v3 =	vmul.f32 v3, v9;
	[tilespmem:s11+$0xFFFFFFD0] =	vst v10;
	v4 =	vmul.f32 v8, v9  }
0x10f: {  	[tilespmem:s11+$0xFFFFFFE0] =	vst v6  }
0x110: {  	v5 =	vmov s13;
	s13 =	sadd.s32 $0x1, s13;
	[tilespmem:s11+$0xFFFFFFF0] =	vst v11  }
0x111: {  	[tilespmem:s11+$0x0] =	vst v2  }
0x112: {  	[tilespmem:s11+$0x10] =	vst v1  }
0x113: {  	[tilespmem:s11+$0x20] =	vst v4  }
0x114: {  	[tilespmem:s11+$0x30] =	vst v3  }
0x115: {  	v1 =	vld.idx.msk [tilespmem:v5+s29+$0x0], $0xffff;
	_ =	sdelay $0x4  }
0x116: {  	v1 =	vadd.f32 $1.000000020e-16, v1;
	_ =	sdelay $0x1  }
0x117: {  	(erf) = vrcp.f32 v1;
	_ =	sdelay $0x3  }
0x118: {  	s14 =	sadd.s32 $0x80, s11  }
0x119: {  	v1 =	vld [tilespmem:s14+$0xFFFFFFC0]  }
0x11a: {  	v2 =	vld [tilespmem:s14+$0xFFFFFFD0]  }
0x11b: {  	v3 =	vld [tilespmem:s14+$0xFFFFFFE0]  }
0x11c: {  	v4 =	vld [tilespmem:s14+$0xFFFFFFF0]  }
0x11d: {  	v5 =	vld [tilespmem:s14+$0x0];
	v6 =	vpop (erf)  }
0x11e: {  	v7 =	vld [tilespmem:s14+$0x10];
	v1 =	vmul.f32 v6, v1  }
0x11f: {  	v8 =	vld [tilespmem:s14+$0x20];
	v2 =	vmul.f32 v2, v6  }
0x120: {  	v9 =	vld [tilespmem:s14+$0x30];
	v3 =	vmul.f32 v3, v6;
	[tilespmem:s14+$0xFFFFFFC0] =	vst v1  }
0x121: {  	v1 =	vmul.f32 v4, v6;
	[tilespmem:s14+$0xFFFFFFD0] =	vst v2  }
0x122: {  	v2 =	vmul.f32 v5, v6;
	[tilespmem:s14+$0xFFFFFFE0] =	vst v3  }
0x123: {  	v3 =	vmul.f32 v7, v6;
	[tilespmem:s14+$0xFFFFFFF0] =	vst v1  }
0x124: {  	v1 =	vmul.f32 v8, v6;
	[tilespmem:s14+$0x0] =	vst v2  }
0x125: {  	v2 =	vmul.f32 v9, v6;
	[tilespmem:s14+$0x10] =	vst v3  }
0x126: {  	[tilespmem:s14+$0x20] =	vst v1  }
0x127: {  	s15 =	rddreg [dreg:$0x8];
	[tilespmem:s14+$0x30] =	vst v2  }
0x128: {  	[hbm4b:s15+s4] =	stream.linear.scatter [tilespmem:s26], [sflag:$0x1], $0x4000, $0x38;
	[tilespmem:$0x1D4A0] =	vst v63  }
0x129: {  	_ =	swait.ge [sflag:s28], $0x4000  }
0x12a: {  	s16 =	simm.s32 $0x80;
	[sflag:s28] =	ssyncset.done $0x0  }
0x12b: {  	v1 =	vmov s16;
	[sflag:s28] =	ssyncadd.s32 $0xFFFFC000  }
0x12c: {  	[tilespmem:s26], [sflag:$0x1] =	stream.linear.gather [spmem:s18], $0x4000, $0x38;
	[tilespmem:$0x1D4A0] =	vst v63  }
0x12d: {  	_ =	swait.ge [sflag:s28], $0x4000  }
0x12e: {  	[sflag:s28] =	ssyncset.done $0x0  }
0x12f: {  	[sflag:s28] =	ssyncadd.s32 $0xFFFFC000  }
0x130: {  	v1 =	vld.idx.msk [tilespmem:v1+s29+$0x0], $0xffff;
	_ =	sdelay $0x4  }
0x131: {  	v1 =	vadd.f32 $1.000000020e-16, v1;
	_ =	sdelay $0x1  }
0x132: {  	(erf) = vrcp.f32 v1;
	_ =	sdelay $0x1  }
0x133: {  	s11 =	simm.s32 $0x142C0  }
0x134: {  	v3 =	vld [tilespmem:s11+$0x30]  }
0x135: {  	v2 =	vld [tilespmem:s11+$0xFFFFFFC0]  }
0x136: {  	v4 =	vld [tilespmem:s11+$0xFFFFFFD0]  }
0x137: {  	v5 =	vld [tilespmem:s11+$0xFFFFFFE0]  }
0x138: {  	v6 =	vld [tilespmem:s11+$0x10]  }
0x139: {  	v1 =	vld [tilespmem:s11+$0xFFFFFFF0]  }
0x13a: {  	v7 =	vld [tilespmem:s11+$0x0];
	v62 =	vpop (erf)  }
0x13b: {  	v63 =	vld [tilespmem:s11+$0x20];
	v2 =	vmul.f32 v62, v2  }
0x13c: {  	v4 =	vmul.f32 v4, v62  }
0x13d: {  	v5 =	vmul.f32 v5, v62;
	[tilespmem:s11+$0xFFFFFFC0] =	vst v2  }
0x13e: {  	v10 =	vmul.f32 v1, v62;
	[tilespmem:s11+$0xFFFFFFD0] =	vst v4  }
0x13f: {  	s13 =	simm.s32 $0x81;
	v1 =	vmul.f32 v6, v62;
	v2 =	vmul.f32 v7, v62;
	[tilespmem:s11+$0xFFFFFFE0] =	vst v5  }
0x140: {  	v3 =	vmul.f32 v3, v62;
	v4 =	vmul.f32 v63, v62;
	v5 =	vmov s13;
	s13 =	simm.s32 $0x82;
	[tilespmem:s11+$0xFFFFFFF0] =	vst v10  }
.LBB2_8:
0x141: {  	p0 =	sne.s32 s13, $0xFF;
	[tilespmem:s11+$0x0] =	vst v2  }
0x142: {  	[tilespmem:s11+$0x10] =	vst v1  }
0x143: {  	[tilespmem:s11+$0x20] =	vst v4  }
0x144: {  	[tilespmem:s11+$0x30] =	vst v3  }
0x145: {  	v1 =	vld.idx.msk [tilespmem:v5+s29+$0x0], $0xffff;
	_ =	sdelay $0x5  }
0x146: {  	v1 =	vadd.f32 $1.000000020e-16, v1;
	_ =	sdelay $0x1  }
0x147: {  	s11 =	sadd.s32 $0x80, s11;
	(erf) = vrcp.f32 v1  }
0x148: {  	v1 =	vld [tilespmem:s11+$0xFFFFFFF0]  }
0x149: {  	v3 =	vld [tilespmem:s11+$0x30]  }
0x14a: {  	v4 =	vld [tilespmem:s11+$0x10]  }
0x14b: {  	v2 =	vld [tilespmem:s11+$0xFFFFFFD0]  }
0x14c: {  	v5 =	vld [tilespmem:s11+$0xFFFFFFC0]  }
0x14d: {  	v6 =	vld [tilespmem:s11+$0xFFFFFFE0]  }
0x14e: {  	v7 =	vld [tilespmem:s11+$0x0]  }
0x14f: {  	v8 =	vld [tilespmem:s11+$0x20]  }
0x150: {  	v9 =	vpop (erf)  }
0x151: {  	v5 =	vmul.f32 v9, v5;
	v10 =	vmul.f32 v2, v9  }
.Ltmp3:
0x152: {  	v11 =	vmul.f32 v1, v9;
	v6 =	vmul.f32 v6, v9;
	(pc) =	sbr.rel @p0 .LBB2_8-.Ltmp3, $4  }
0x153: {  	v1 =	vmul.f32 v4, v9;
	[tilespmem:s11+$0xFFFFFFC0] =	vst v5;
	v2 =	vmul.f32 v7, v9  }
0x154: {  	v3 =	vmul.f32 v3, v9;
	[tilespmem:s11+$0xFFFFFFD0] =	vst v10;
	v4 =	vmul.f32 v8, v9  }
0x155: {  	[tilespmem:s11+$0xFFFFFFE0] =	vst v6  }
0x156: {  	v5 =	vmov s13;
	s13 =	sadd.s32 $0x1, s13;
	[tilespmem:s11+$0xFFFFFFF0] =	vst v11  }
0x157: {  	[tilespmem:s11+$0x0] =	vst v2  }
0x158: {  	[tilespmem:s11+$0x10] =	vst v1  }
0x159: {  	[tilespmem:s11+$0x20] =	vst v4  }
0x15a: {  	[tilespmem:s11+$0x30] =	vst v3  }
0x15b: {  	v1 =	vld.idx.msk [tilespmem:v5+s29+$0x0], $0xffff;
	_ =	sdelay $0x4  }
0x15c: {  	v1 =	vadd.f32 $1.000000020e-16, v1;
	_ =	sdelay $0x1  }
0x15d: {  	(erf) = vrcp.f32 v1;
	_ =	sdelay $0x3  }
0x15e: {  	s14 =	sadd.s32 $0x80, s11  }
0x15f: {  	v1 =	vld [tilespmem:s14+$0xFFFFFFC0]  }
0x160: {  	v2 =	vld [tilespmem:s14+$0xFFFFFFD0]  }
0x161: {  	v3 =	vld [tilespmem:s14+$0xFFFFFFE0]  }
0x162: {  	v4 =	vld [tilespmem:s14+$0xFFFFFFF0]  }
0x163: {  	v5 =	vld [tilespmem:s14+$0x0];
	v6 =	vpop (erf)  }
0x164: {  	v7 =	vld [tilespmem:s14+$0x10];
	v1 =	vmul.f32 v6, v1  }
0x165: {  	v8 =	vld [tilespmem:s14+$0x20];
	v2 =	vmul.f32 v2, v6  }
0x166: {  	v9 =	vld [tilespmem:s14+$0x30];
	v3 =	vmul.f32 v3, v6;
	[tilespmem:s14+$0xFFFFFFC0] =	vst v1  }
0x167: {  	v1 =	vmul.f32 v4, v6;
	[tilespmem:s14+$0xFFFFFFD0] =	vst v2  }
0x168: {  	v2 =	vmul.f32 v5, v6;
	[tilespmem:s14+$0xFFFFFFE0] =	vst v3  }
0x169: {  	v3 =	vmul.f32 v7, v6;
	[tilespmem:s14+$0xFFFFFFF0] =	vst v1  }
0x16a: {  	v1 =	vmul.f32 v8, v6;
	[tilespmem:s14+$0x0] =	vst v2  }
0x16b: {  	v2 =	vmul.f32 v9, v6;
	[tilespmem:s14+$0x10] =	vst v3  }
0x16c: {  	[tilespmem:s14+$0x20] =	vst v1  }
0x16d: {  	s15 =	rddreg [dreg:$0x9];
	[tilespmem:s14+$0x30] =	vst v2  }
0x16e: {  	[hbm4b:s15+s4] =	stream.linear.scatter [tilespmem:s26], [sflag:$0x1], $0x4000, $0x38;
	[tilespmem:$0x1D4A0] =	vst v63  }
0x16f: {  	_ =	swait.ge [sflag:s28], $0x4000  }
0x170: {  	s16 =	simm.s32 $0x100;
	[sflag:s28] =	ssyncset.done $0x0  }
0x171: {  	v1 =	vmov s16;
	[sflag:s28] =	ssyncadd.s32 $0xFFFFC000  }
0x172: {  	[tilespmem:s26], [sflag:$0x1] =	stream.linear.gather [spmem:s19], $0x4000, $0x38;
	[tilespmem:$0x1D4A0] =	vst v63  }
0x173: {  	_ =	swait.ge [sflag:s28], $0x4000  }
0x174: {  	[sflag:s28] =	ssyncset.done $0x0  }
0x175: {  	[sflag:s28] =	ssyncadd.s32 $0xFFFFC000  }
0x176: {  	v1 =	vld.idx.msk [tilespmem:v1+s29+$0x0], $0xffff;
	_ =	sdelay $0x4  }
0x177: {  	v1 =	vadd.f32 $1.000000020e-16, v1;
	_ =	sdelay $0x1  }
0x178: {  	(erf) = vrcp.f32 v1;
	_ =	sdelay $0x1  }
0x179: {  	s11 =	simm.s32 $0x142C0  }
0x17a: {  	v3 =	vld [tilespmem:s11+$0x30]  }
0x17b: {  	v2 =	vld [tilespmem:s11+$0xFFFFFFC0]  }
0x17c: {  	v4 =	vld [tilespmem:s11+$0xFFFFFFD0]  }
0x17d: {  	v5 =	vld [tilespmem:s11+$0xFFFFFFE0]  }
0x17e: {  	v6 =	vld [tilespmem:s11+$0x10]  }
0x17f: {  	v1 =	vld [tilespmem:s11+$0xFFFFFFF0]  }
0x180: {  	v7 =	vld [tilespmem:s11+$0x0];
	v62 =	vpop (erf)  }
0x181: {  	v63 =	vld [tilespmem:s11+$0x20];
	v2 =	vmul.f32 v62, v2  }
0x182: {  	v4 =	vmul.f32 v4, v62  }
0x183: {  	v5 =	vmul.f32 v5, v62;
	[tilespmem:s11+$0xFFFFFFC0] =	vst v2  }
0x184: {  	v10 =	vmul.f32 v1, v62;
	[tilespmem:s11+$0xFFFFFFD0] =	vst v4  }
0x185: {  	s13 =	simm.s32 $0x101;
	v1 =	vmul.f32 v6, v62;
	v2 =	vmul.f32 v7, v62;
	[tilespmem:s11+$0xFFFFFFE0] =	vst v5  }
0x186: {  	v3 =	vmul.f32 v3, v62;
	v4 =	vmul.f32 v63, v62;
	v5 =	vmov s13;
	s13 =	simm.s32 $0x102;
	[tilespmem:s11+$0xFFFFFFF0] =	vst v10  }
.LBB2_10:
0x187: {  	p0 =	sne.s32 s13, $0x17F;
	[tilespmem:s11+$0x0] =	vst v2  }
0x188: {  	[tilespmem:s11+$0x10] =	vst v1  }
0x189: {  	[tilespmem:s11+$0x20] =	vst v4  }
0x18a: {  	[tilespmem:s11+$0x30] =	vst v3  }
0x18b: {  	v1 =	vld.idx.msk [tilespmem:v5+s29+$0x0], $0xffff;
	_ =	sdelay $0x5  }
0x18c: {  	v1 =	vadd.f32 $1.000000020e-16, v1;
	_ =	sdelay $0x1  }
0x18d: {  	s11 =	sadd.s32 $0x80, s11;
	(erf) = vrcp.f32 v1  }
0x18e: {  	v1 =	vld [tilespmem:s11+$0xFFFFFFF0]  }
0x18f: {  	v3 =	vld [tilespmem:s11+$0x30]  }
0x190: {  	v4 =	vld [tilespmem:s11+$0x10]  }
0x191: {  	v2 =	vld [tilespmem:s11+$0xFFFFFFD0]  }
0x192: {  	v5 =	vld [tilespmem:s11+$0xFFFFFFC0]  }
0x193: {  	v6 =	vld [tilespmem:s11+$0xFFFFFFE0]  }
0x194: {  	v7 =	vld [tilespmem:s11+$0x0]  }
0x195: {  	v8 =	vld [tilespmem:s11+$0x20]  }
0x196: {  	v9 =	vpop (erf)  }
0x197: {  	v5 =	vmul.f32 v9, v5;
	v10 =	vmul.f32 v2, v9  }
.Ltmp4:
0x198: {  	v11 =	vmul.f32 v1, v9;
	v6 =	vmul.f32 v6, v9;
	(pc) =	sbr.rel @p0 .LBB2_10-.Ltmp4, $4  }
0x199: {  	v1 =	vmul.f32 v4, v9;
	[tilespmem:s11+$0xFFFFFFC0] =	vst v5;
	v2 =	vmul.f32 v7, v9  }
0x19a: {  	v3 =	vmul.f32 v3, v9;
	[tilespmem:s11+$0xFFFFFFD0] =	vst v10;
	v4 =	vmul.f32 v8, v9  }
0x19b: {  	[tilespmem:s11+$0xFFFFFFE0] =	vst v6  }
0x19c: {  	v5 =	vmov s13;
	s13 =	sadd.s32 $0x1, s13;
	[tilespmem:s11+$0xFFFFFFF0] =	vst v11  }
0x19d: {  	[tilespmem:s11+$0x0] =	vst v2  }
0x19e: {  	[tilespmem:s11+$0x10] =	vst v1  }
0x19f: {  	[tilespmem:s11+$0x20] =	vst v4  }
0x1a0: {  	[tilespmem:s11+$0x30] =	vst v3  }
0x1a1: {  	v1 =	vld.idx.msk [tilespmem:v5+s29+$0x0], $0xffff;
	_ =	sdelay $0x4  }
0x1a2: {  	v1 =	vadd.f32 $1.000000020e-16, v1;
	_ =	sdelay $0x1  }
0x1a3: {  	(erf) = vrcp.f32 v1;
	_ =	sdelay $0x3  }
0x1a4: {  	s14 =	sadd.s32 $0x80, s11  }
0x1a5: {  	v1 =	vld [tilespmem:s14+$0xFFFFFFC0]  }
0x1a6: {  	v2 =	vld [tilespmem:s14+$0xFFFFFFD0]  }
0x1a7: {  	v3 =	vld [tilespmem:s14+$0xFFFFFFE0]  }
0x1a8: {  	v4 =	vld [tilespmem:s14+$0xFFFFFFF0]  }
0x1a9: {  	v5 =	vld [tilespmem:s14+$0x0];
	v6 =	vpop (erf)  }
0x1aa: {  	v7 =	vld [tilespmem:s14+$0x10];
	v1 =	vmul.f32 v6, v1  }
0x1ab: {  	v8 =	vld [tilespmem:s14+$0x20];
	v2 =	vmul.f32 v2, v6  }
0x1ac: {  	v9 =	vld [tilespmem:s14+$0x30];
	v3 =	vmul.f32 v3, v6;
	[tilespmem:s14+$0xFFFFFFC0] =	vst v1  }
0x1ad: {  	v1 =	vmul.f32 v4, v6;
	[tilespmem:s14+$0xFFFFFFD0] =	vst v2  }
0x1ae: {  	v2 =	vmul.f32 v5, v6;
	[tilespmem:s14+$0xFFFFFFE0] =	vst v3  }
0x1af: {  	v3 =	vmul.f32 v7, v6;
	[tilespmem:s14+$0xFFFFFFF0] =	vst v1  }
0x1b0: {  	v1 =	vmul.f32 v8, v6;
	[tilespmem:s14+$0x0] =	vst v2  }
0x1b1: {  	v2 =	vmul.f32 v9, v6;
	[tilespmem:s14+$0x10] =	vst v3  }
0x1b2: {  	[tilespmem:s14+$0x20] =	vst v1  }
0x1b3: {  	s15 =	rddreg [dreg:$0xa];
	[tilespmem:s14+$0x30] =	vst v2  }
0x1b4: {  	[hbm4b:s15+s4] =	stream.linear.scatter [tilespmem:s26], [sflag:$0x1], $0x4000, $0x38;
	[tilespmem:$0x1D4A0] =	vst v63  }
0x1b5: {  	_ =	swait.ge [sflag:s28], $0x4000  }
0x1b6: {  	s16 =	simm.s32 $0x180;
	[sflag:s28] =	ssyncset.done $0x0  }
0x1b7: {  	v1 =	vmov s16;
	[sflag:s28] =	ssyncadd.s32 $0xFFFFC000  }
0x1b8: {  	[tilespmem:s26], [sflag:$0x1] =	stream.linear.gather [spmem:s20], $0x4000, $0x38;
	[tilespmem:$0x1D4A0] =	vst v63  }
0x1b9: {  	_ =	swait.ge [sflag:s28], $0x4000  }
0x1ba: {  	[sflag:s28] =	ssyncset.done $0x0  }
0x1bb: {  	[sflag:s28] =	ssyncadd.s32 $0xFFFFC000  }
0x1bc: {  	v1 =	vld.idx.msk [tilespmem:v1+s29+$0x0], $0xffff;
	_ =	sdelay $0x4  }
0x1bd: {  	v1 =	vadd.f32 $1.000000020e-16, v1;
	_ =	sdelay $0x1  }
0x1be: {  	(erf) = vrcp.f32 v1;
	_ =	sdelay $0x1  }
0x1bf: {  	s11 =	simm.s32 $0x142C0  }
0x1c0: {  	v3 =	vld [tilespmem:s11+$0x30]  }
0x1c1: {  	v2 =	vld [tilespmem:s11+$0xFFFFFFC0]  }
0x1c2: {  	v4 =	vld [tilespmem:s11+$0xFFFFFFD0]  }
0x1c3: {  	v5 =	vld [tilespmem:s11+$0xFFFFFFE0]  }
0x1c4: {  	v6 =	vld [tilespmem:s11+$0x10]  }
0x1c5: {  	v1 =	vld [tilespmem:s11+$0xFFFFFFF0]  }
0x1c6: {  	v7 =	vld [tilespmem:s11+$0x0];
	v62 =	vpop (erf)  }
0x1c7: {  	v63 =	vld [tilespmem:s11+$0x20];
	v2 =	vmul.f32 v62, v2  }
0x1c8: {  	v4 =	vmul.f32 v4, v62  }
0x1c9: {  	v5 =	vmul.f32 v5, v62;
	[tilespmem:s11+$0xFFFFFFC0] =	vst v2  }
0x1ca: {  	v10 =	vmul.f32 v1, v62;
	[tilespmem:s11+$0xFFFFFFD0] =	vst v4  }
0x1cb: {  	s13 =	simm.s32 $0x181;
	v1 =	vmul.f32 v6, v62;
	v2 =	vmul.f32 v7, v62;
	[tilespmem:s11+$0xFFFFFFE0] =	vst v5  }
0x1cc: {  	v3 =	vmul.f32 v3, v62;
	v4 =	vmul.f32 v63, v62;
	v5 =	vmov s13;
	s13 =	simm.s32 $0x182;
	[tilespmem:s11+$0xFFFFFFF0] =	vst v10  }
.LBB2_12:
0x1cd: {  	p0 =	sne.s32 s13, $0x1FF;
	[tilespmem:s11+$0x0] =	vst v2  }
0x1ce: {  	[tilespmem:s11+$0x10] =	vst v1  }
0x1cf: {  	[tilespmem:s11+$0x20] =	vst v4  }
0x1d0: {  	[tilespmem:s11+$0x30] =	vst v3  }
0x1d1: {  	v1 =	vld.idx.msk [tilespmem:v5+s29+$0x0], $0xffff;
	_ =	sdelay $0x5  }
0x1d2: {  	v1 =	vadd.f32 $1.000000020e-16, v1;
	_ =	sdelay $0x1  }
0x1d3: {  	s11 =	sadd.s32 $0x80, s11;
	(erf) = vrcp.f32 v1  }
0x1d4: {  	v1 =	vld [tilespmem:s11+$0xFFFFFFF0]  }
0x1d5: {  	v3 =	vld [tilespmem:s11+$0x30]  }
0x1d6: {  	v4 =	vld [tilespmem:s11+$0x10]  }
0x1d7: {  	v2 =	vld [tilespmem:s11+$0xFFFFFFD0]  }
0x1d8: {  	v5 =	vld [tilespmem:s11+$0xFFFFFFC0]  }
0x1d9: {  	v6 =	vld [tilespmem:s11+$0xFFFFFFE0]  }
0x1da: {  	v7 =	vld [tilespmem:s11+$0x0]  }
0x1db: {  	v8 =	vld [tilespmem:s11+$0x20]  }
0x1dc: {  	v9 =	vpop (erf)  }
0x1dd: {  	v5 =	vmul.f32 v9, v5;
	v10 =	vmul.f32 v2, v9  }
.Ltmp5:
0x1de: {  	v11 =	vmul.f32 v1, v9;
	v6 =	vmul.f32 v6, v9;
	(pc) =	sbr.rel @p0 .LBB2_12-.Ltmp5, $4  }
0x1df: {  	v1 =	vmul.f32 v4, v9;
	[tilespmem:s11+$0xFFFFFFC0] =	vst v5;
	v2 =	vmul.f32 v7, v9  }
0x1e0: {  	v3 =	vmul.f32 v3, v9;
	[tilespmem:s11+$0xFFFFFFD0] =	vst v10;
	v4 =	vmul.f32 v8, v9  }
0x1e1: {  	[tilespmem:s11+$0xFFFFFFE0] =	vst v6  }
0x1e2: {  	v5 =	vmov s13;
	s13 =	sadd.s32 $0x1, s13;
	[tilespmem:s11+$0xFFFFFFF0] =	vst v11  }
0x1e3: {  	[tilespmem:s11+$0x0] =	vst v2  }
0x1e4: {  	[tilespmem:s11+$0x10] =	vst v1  }
0x1e5: {  	[tilespmem:s11+$0x20] =	vst v4  }
0x1e6: {  	[tilespmem:s11+$0x30] =	vst v3  }
0x1e7: {  	v1 =	vld.idx.msk [tilespmem:v5+s29+$0x0], $0xffff;
	_ =	sdelay $0x4  }
0x1e8: {  	v1 =	vadd.f32 $1.000000020e-16, v1;
	_ =	sdelay $0x1  }
0x1e9: {  	(erf) = vrcp.f32 v1;
	_ =	sdelay $0x3  }
0x1ea: {  	s14 =	sadd.s32 $0x80, s11  }
0x1eb: {  	v1 =	vld [tilespmem:s14+$0xFFFFFFC0]  }
0x1ec: {  	v2 =	vld [tilespmem:s14+$0xFFFFFFD0]  }
0x1ed: {  	v3 =	vld [tilespmem:s14+$0xFFFFFFE0]  }
0x1ee: {  	v4 =	vld [tilespmem:s14+$0xFFFFFFF0]  }
0x1ef: {  	v5 =	vld [tilespmem:s14+$0x0];
	v6 =	vpop (erf)  }
0x1f0: {  	v7 =	vld [tilespmem:s14+$0x10];
	v1 =	vmul.f32 v6, v1  }
0x1f1: {  	v8 =	vld [tilespmem:s14+$0x20];
	v2 =	vmul.f32 v2, v6  }
0x1f2: {  	v9 =	vld [tilespmem:s14+$0x30];
	v3 =	vmul.f32 v3, v6;
	[tilespmem:s14+$0xFFFFFFC0] =	vst v1  }
0x1f3: {  	v1 =	vmul.f32 v4, v6;
	[tilespmem:s14+$0xFFFFFFD0] =	vst v2  }
0x1f4: {  	v2 =	vmul.f32 v5, v6;
	[tilespmem:s14+$0xFFFFFFE0] =	vst v3  }
0x1f5: {  	v3 =	vmul.f32 v7, v6;
	[tilespmem:s14+$0xFFFFFFF0] =	vst v1  }
0x1f6: {  	v1 =	vmul.f32 v8, v6;
	[tilespmem:s14+$0x0] =	vst v2  }
0x1f7: {  	v2 =	vmul.f32 v9, v6;
	[tilespmem:s14+$0x10] =	vst v3  }
0x1f8: {  	[tilespmem:s14+$0x20] =	vst v1  }
0x1f9: {  	s15 =	rddreg [dreg:$0xb];
	[tilespmem:s14+$0x30] =	vst v2  }
0x1fa: {  	[hbm4b:s15+s4] =	stream.linear.scatter [tilespmem:s26], [sflag:$0x1], $0x4000, $0x38;
	[tilespmem:$0x1D4A0] =	vst v63  }
0x1fb: {  	_ =	swait.ge [sflag:s28], $0x4000  }
0x1fc: {  	s16 =	simm.s32 $0x200;
	[sflag:s28] =	ssyncset.done $0x0  }
0x1fd: {  	v1 =	vmov s16;
	[sflag:s28] =	ssyncadd.s32 $0xFFFFC000  }
0x1fe: {  	[tilespmem:s26], [sflag:$0x1] =	stream.linear.gather [spmem:s21], $0x4000, $0x38;
	[tilespmem:$0x1D4A0] =	vst v63  }
0x1ff: {  	_ =	swait.ge [sflag:s28], $0x4000  }
0x200: {  	[sflag:s28] =	ssyncset.done $0x0  }
0x201: {  	[sflag:s28] =	ssyncadd.s32 $0xFFFFC000  }
0x202: {  	v1 =	vld.idx.msk [tilespmem:v1+s29+$0x0], $0xffff;
	_ =	sdelay $0x4  }
0x203: {  	v1 =	vadd.f32 $1.000000020e-16, v1;
	_ =	sdelay $0x1  }
0x204: {  	(erf) = vrcp.f32 v1;
	_ =	sdelay $0x1  }
0x205: {  	s11 =	simm.s32 $0x142C0  }
0x206: {  	v3 =	vld [tilespmem:s11+$0x30]  }
0x207: {  	v2 =	vld [tilespmem:s11+$0xFFFFFFC0]  }
0x208: {  	v4 =	vld [tilespmem:s11+$0xFFFFFFD0]  }
0x209: {  	v5 =	vld [tilespmem:s11+$0xFFFFFFE0]  }
0x20a: {  	v6 =	vld [tilespmem:s11+$0x10]  }
0x20b: {  	v1 =	vld [tilespmem:s11+$0xFFFFFFF0]  }
0x20c: {  	v7 =	vld [tilespmem:s11+$0x0];
	v62 =	vpop (erf)  }
0x20d: {  	v63 =	vld [tilespmem:s11+$0x20];
	v2 =	vmul.f32 v62, v2  }
0x20e: {  	v4 =	vmul.f32 v4, v62  }
0x20f: {  	v5 =	vmul.f32 v5, v62;
	[tilespmem:s11+$0xFFFFFFC0] =	vst v2  }
0x210: {  	v10 =	vmul.f32 v1, v62;
	[tilespmem:s11+$0xFFFFFFD0] =	vst v4  }
0x211: {  	s13 =	simm.s32 $0x201;
	v1 =	vmul.f32 v6, v62;
	v2 =	vmul.f32 v7, v62;
	[tilespmem:s11+$0xFFFFFFE0] =	vst v5  }
0x212: {  	v3 =	vmul.f32 v3, v62;
	v4 =	vmul.f32 v63, v62;
	v5 =	vmov s13;
	s13 =	simm.s32 $0x202;
	[tilespmem:s11+$0xFFFFFFF0] =	vst v10  }
.LBB2_14:
0x213: {  	p0 =	sne.s32 s13, $0x27F;
	[tilespmem:s11+$0x0] =	vst v2  }
0x214: {  	[tilespmem:s11+$0x10] =	vst v1  }
0x215: {  	[tilespmem:s11+$0x20] =	vst v4  }
0x216: {  	[tilespmem:s11+$0x30] =	vst v3  }
0x217: {  	v1 =	vld.idx.msk [tilespmem:v5+s29+$0x0], $0xffff;
	_ =	sdelay $0x5  }
0x218: {  	v1 =	vadd.f32 $1.000000020e-16, v1;
	_ =	sdelay $0x1  }
0x219: {  	s11 =	sadd.s32 $0x80, s11;
	(erf) = vrcp.f32 v1  }
0x21a: {  	v1 =	vld [tilespmem:s11+$0xFFFFFFF0]  }
0x21b: {  	v3 =	vld [tilespmem:s11+$0x30]  }
0x21c: {  	v4 =	vld [tilespmem:s11+$0x10]  }
0x21d: {  	v2 =	vld [tilespmem:s11+$0xFFFFFFD0]  }
0x21e: {  	v5 =	vld [tilespmem:s11+$0xFFFFFFC0]  }
0x21f: {  	v6 =	vld [tilespmem:s11+$0xFFFFFFE0]  }
0x220: {  	v7 =	vld [tilespmem:s11+$0x0]  }
0x221: {  	v8 =	vld [tilespmem:s11+$0x20]  }
0x222: {  	v9 =	vpop (erf)  }
0x223: {  	v5 =	vmul.f32 v9, v5;
	v10 =	vmul.f32 v2, v9  }
.Ltmp6:
0x224: {  	v11 =	vmul.f32 v1, v9;
	v6 =	vmul.f32 v6, v9;
	(pc) =	sbr.rel @p0 .LBB2_14-.Ltmp6, $4  }
0x225: {  	v1 =	vmul.f32 v4, v9;
	[tilespmem:s11+$0xFFFFFFC0] =	vst v5;
	v2 =	vmul.f32 v7, v9  }
0x226: {  	v3 =	vmul.f32 v3, v9;
	[tilespmem:s11+$0xFFFFFFD0] =	vst v10;
	v4 =	vmul.f32 v8, v9  }
0x227: {  	[tilespmem:s11+$0xFFFFFFE0] =	vst v6  }
0x228: {  	v5 =	vmov s13;
	s13 =	sadd.s32 $0x1, s13;
	[tilespmem:s11+$0xFFFFFFF0] =	vst v11  }
0x229: {  	[tilespmem:s11+$0x0] =	vst v2  }
0x22a: {  	[tilespmem:s11+$0x10] =	vst v1  }
0x22b: {  	[tilespmem:s11+$0x20] =	vst v4  }
0x22c: {  	[tilespmem:s11+$0x30] =	vst v3  }
0x22d: {  	v1 =	vld.idx.msk [tilespmem:v5+s29+$0x0], $0xffff;
	_ =	sdelay $0x4  }
0x22e: {  	v1 =	vadd.f32 $1.000000020e-16, v1;
	_ =	sdelay $0x1  }
0x22f: {  	(erf) = vrcp.f32 v1;
	_ =	sdelay $0x3  }
0x230: {  	s15 =	sadd.s32 $0x80, s11  }
0x231: {  	v1 =	vld [tilespmem:s15+$0xFFFFFFC0]  }
0x232: {  	v2 =	vld [tilespmem:s15+$0xFFFFFFD0]  }
0x233: {  	v3 =	vld [tilespmem:s15+$0xFFFFFFE0]  }
0x234: {  	v4 =	vld [tilespmem:s15+$0xFFFFFFF0]  }
0x235: {  	v63 =	vld [tilespmem:s15+$0x0];
	v6 =	vpop (erf)  }
0x236: {  	v7 =	vld [tilespmem:s15+$0x10];
	v1 =	vmul.f32 v6, v1  }
0x237: {  	v8 =	vld [tilespmem:s15+$0x20];
	v2 =	vmul.f32 v2, v6  }
0x238: {  	v9 =	vld [tilespmem:s15+$0x30];
	v3 =	vmul.f32 v3, v6;
	[tilespmem:s15+$0xFFFFFFC0] =	vst v1  }
0x239: {  	v1 =	vmul.f32 v4, v6;
	[tilespmem:s15+$0xFFFFFFD0] =	vst v2  }
0x23a: {  	v2 =	vmul.f32 v63, v6;
	[tilespmem:s15+$0xFFFFFFE0] =	vst v3  }
0x23b: {  	v3 =	vmul.f32 v7, v6;
	[tilespmem:s15+$0xFFFFFFF0] =	vst v1  }
0x23c: {  	v1 =	vmul.f32 v8, v6;
	[tilespmem:s15+$0x0] =	vst v2  }
0x23d: {  	s10 =	sadd.s32 $0x1, s10;
	v2 =	vmul.f32 v9, v6;
	[tilespmem:s15+$0x10] =	vst v3  }
0x23e: {  	p0 =	sne.s32 s10, s25;
	[tilespmem:s15+$0x20] =	vst v1  }
.Ltmp7:
0x23f: {  	s16 =	rddreg [dreg:$0xc];
	[tilespmem:s15+$0x30] =	vst v2;
	(pc) =	sbr.rel @p0 .LBB2_1-.Ltmp7, $4  }
0x240: {  	[hbm4b:s16+s4] =	stream.linear.scatter [tilespmem:s26], [sflag:$0x1], $0x4000, $0x38;
	[tilespmem:$0x1D4A0] =	vst v63  }
0x241: {  	_ =	swait.ge [sflag:s28], $0x4000  }
0x242: {  	[sflag:s28] =	ssyncset.done $0x0  }
0x243: {  	[sflag:s28] =	ssyncadd.s32 $0xFFFFC000  }
0x244: {  	_ =	sfence.sel $0x180000  }
0x245: {  	[bflag:$0x0] =	sbarrier.arrive $0xFFFF  }
0x246: {  	_ =	strace $0x90000047  }
0x247: {  	s0 =	stileid.u32;
	[bflag:$0x2] =	sbarrier.arrive $0xFFFF  }
0x248: {  	p0 =	sne.s32 s0, $0x0;
	s0 =	rddreg [dreg:$0x4]  }
0x249: {  	s0 =	sadd.s32 @!p0 $0x100000, s0  }
0x24a: {  	[sflag:s0] =	ssyncadd.tile.s32 @!p0 $0x1;
	_ =	shalt  }
.Lfunc_end2:
_tile_overlayer_lowered:
.L_overlay_start_2:
0x24b: {  	(tag) =	ssettag $0x2  }
0x24c: {  	s0 =	rddreg [dreg:$0x0];
	s2 =	stileid.u32  }
0x24d: {  	s1 =	rddreg [dreg:$0x1];
	p0 =	sne.s32 s2, $0x0  }
0x24e: {  	s3 =	rddreg [dreg:$0x2];
	[bflag:$0x3] =	sbarrier.arrive $0xFFFF;
	s2 =	simm.s32 @!p0 $0x1C01  }
0x24f: {  	[timem:s3], [sflag:s2] =	dma.local @!p0 [hbm:s0], s1  }
0x250: {  	s0 =	simm.s32 @!p0 $0x1  }
0x251: {  	_ =	swait.ge @!p0 [sflag:s0], s1  }
0x252: {  	s1 =	ssub.s32 @!p0 $0x0, s1;
	[sflag:s0] =	ssyncset.done @!p0 $0x0  }
0x253: {  	[sflag:s0] =	ssyncadd.s32 @!p0 s1  }
0x254: {  	[bflag:$0x3] =	sbarrier.arrive $0xFFFF  }
0x255: {  	_ =	shalt  }

</sc_bundles>
